<compile_context>
chip_gen: v7x
topology: tpu7x:2x2x1
jax: 0.10.2.dev20260603
libtpu: 0.0.44.dev20260713+nightly
codegen_flags: <defaults>
</compile_context>

<pallas_src>
import functools

import jax
import jax.numpy as jnp
from jax import lax
from jax.experimental import pallas as pl
from jax.experimental.pallas import tpu as pltpu
from jax.experimental.pallas import tpu_sc as plsc

B = 8
N = 16384
M = 256
K = 32
CH = 128
NCH = N // CH
CAP = 512
NROW = B * M
NW = 32
ROWS_PW = NROW // NW


def _fps_sort_kernel(x_ref, y_ref, z_ref, cx_ref, cy_ref, cz_ref):
    x = jnp.reshape(x_ref[...], (B, 128, 128))
    y = jnp.reshape(y_ref[...], (B, 128, 128))
    z = jnp.reshape(z_ref[...], (B, 128, 128))
    flat = (lax.broadcasted_iota(jnp.int32, (B, 128, 128), 1) * 128
            + lax.broadcasted_iota(jnp.int32, (B, 128, 128), 2))
    iota_m = lax.broadcasted_iota(jnp.int32, (B, M), 1)

    def body(i, st):
        dists, far, cxs, cys, czs = st
        mask = flat == far
        cx = jnp.sum(jnp.where(mask, x, 0.0), axis=(1, 2), keepdims=True)
        cy = jnp.sum(jnp.where(mask, y, 0.0), axis=(1, 2), keepdims=True)
        cz = jnp.sum(jnp.where(mask, z, 0.0), axis=(1, 2), keepdims=True)
        sel = iota_m == i
        cxs = jnp.where(sel, cx[:, :, 0], cxs)
        cys = jnp.where(sel, cy[:, :, 0], cys)
        czs = jnp.where(sel, cz[:, :, 0], czs)
        dx = x - cx
        dy = y - cy
        dz = z - cz
        d = dx * dx + dy * dy + dz * dz
        dists = jnp.minimum(dists, d)
        amax = jnp.max(dists, axis=(1, 2), keepdims=True)
        far = jnp.min(jnp.where(dists == amax, flat, N), axis=(1, 2),
                      keepdims=True)
        return dists, far, cxs, cys, czs

    dists0 = jnp.full((B, 128, 128), 1e10, jnp.float32)
    far0 = jnp.zeros((B, 1, 1), jnp.int32)
    zm = jnp.zeros((B, M), jnp.float32)
    _, _, cx, cy, cz = lax.fori_loop(0, M, body,
                                     (dists0, far0, zm, zm, zm))

    cx_ref[...] = cx
    cy_ref[...] = cy
    cz_ref[...] = cz


def _fps_sort(xs, ys, zs):
    return pl.pallas_call(
        _fps_sort_kernel,
        out_shape=[jax.ShapeDtypeStruct((B, M), jnp.float32)] * 3,
    )(xs, ys, zs)


def _sort_kernel(cx_ref, cy_ref, cz_ref, ox_ref, oy_ref, oz_ref):
    b = pl.program_id(0)
    mx = jnp.min(cx_ref[...])
    my = jnp.min(cy_ref[...])
    mz = jnp.min(cz_ref[...])
    cx = cx_ref[pl.ds(b, 1), 0]
    cy = cy_ref[pl.ds(b, 1), 0]
    cz = cz_ref[pl.ds(b, 1), 0]
    sx = cx - mx
    sy = cy - my
    sz = cz - mz
    dist = (sx * sx + sy * sy) + sz * sz
    di = jnp.reshape(dist, (M, 1))
    dj = dist
    jlt = lax.broadcasted_iota(jnp.int32, (M, M), 1) < \
        lax.broadcasted_iota(jnp.int32, (M, M), 0)
    rank = (jnp.sum((dj < di).astype(jnp.int32), axis=1)
            + jnp.sum(((dj == di) & jlt).astype(jnp.int32), axis=1))
    rr = jnp.reshape(rank, (M, 1))
    onehot = rr == lax.broadcasted_iota(jnp.int32, (M, M), 1)
    ox_ref[0, 0] = jnp.sum(jnp.where(onehot, jnp.reshape(cx, (M, 1)), 0.0),
                           axis=0)
    oy_ref[0, 0] = jnp.sum(jnp.where(onehot, jnp.reshape(cy, (M, 1)), 0.0),
                           axis=0)
    oz_ref[0, 0] = jnp.sum(jnp.where(onehot, jnp.reshape(cz, (M, 1)), 0.0),
                           axis=0)


def _sort_centroids(cx, cy, cz):
    cx3 = jnp.reshape(cx, (B, 1, M))
    cy3 = jnp.reshape(cy, (B, 1, M))
    cz3 = jnp.reshape(cz, (B, 1, M))
    full = pl.BlockSpec((B, 1, M), lambda b: (0, 0, 0))
    outs = pl.BlockSpec((1, 1, M), lambda b: (b, 0, 0))
    ox, oy, oz = pl.pallas_call(
        _sort_kernel,
        grid=(B,),
        in_specs=[full, full, full],
        out_specs=[outs, outs, outs],
        out_shape=[jax.ShapeDtypeStruct((B, 1, M), jnp.float32)] * 3,
    )(cx3, cy3, cz3)
    return (jnp.reshape(ox, (B, M)), jnp.reshape(oy, (B, M)),
            jnp.reshape(oz, (B, M)))


W = 4096
S = N // W

def _d2_kernel(a_ref, p_ref, d2_ref, cm_ref):
    a = a_ref[0]
    p = p_ref[0]
    n2 = (a[:, 0:1] * a[:, 0:1] + a[:, 1:2] * a[:, 1:2]) + a[:, 2:3] * a[:, 2:3]
    n1 = (p[:, 0:1] * p[:, 0:1] + p[:, 1:2] * p[:, 1:2]) + p[:, 2:3] * p[:, 2:3]
    dot = lax.dot_general(a, p, (((1,), (1,)), ((), ())))
    n1r = jnp.reshape(n1, (1, W))
    d2 = (n2 + n1r) - 2.0 * dot
    d2_ref[...] = d2
    cm_ref[0] = jnp.transpose(
        jnp.min(jnp.reshape(d2, (M, W // CH, CH)), axis=2), (1, 0))


def _d2_strips(a8, p8):
    return pl.pallas_call(
        _d2_kernel,
        grid=(B, S),
        in_specs=[
            pl.BlockSpec((1, M, 8), lambda b, s: (b, 0, 0)),
            pl.BlockSpec((1, W, 8), lambda b, s: (b, s, 0)),
        ],
        out_specs=[
            pl.BlockSpec((M, W), lambda b, s: (b, s)),
            pl.BlockSpec((1, W // CH, M), lambda b, s: (b, s, 0)),
        ],
        out_shape=[
            jax.ShapeDtypeStruct((NROW, N), jnp.float32),
            jax.ShapeDtypeStruct((B, NCH, M), jnp.float32),
        ],
    )(a8, p8)


def _thresh_kernel(cm_ref, t16_ref):
    cm = cm_ref[...]

    def step(k, cm):
        m = jnp.min(cm, axis=1, keepdims=True)
        return jnp.where(cm == m, jnp.inf, cm)

    cm = lax.fori_loop(0, K - 1, step, cm)
    t = jnp.min(cm, axis=1)
    t16_ref[...] = jnp.broadcast_to(t[:, :, None], (B, M, 16))


def _threshold(cm):
    return pl.pallas_call(
        _thresh_kernel,
        out_shape=jax.ShapeDtypeStruct((B, M, 16), jnp.float32),
    )(cm)


def _sc_kernel(d2_hbm, t16_hbm, c16_hbm, pts_hbm, out_hbm,
               x_v, y_v, z_v, db0, db1, t_v, c_v, cand_d, cand_i, out_v,
               sem0, sem1):
    wid = lax.axis_index("s") * 2 + lax.axis_index("c")
    batch = wid // 4
    base = wid * ROWS_PW
    lane = lax.broadcasted_iota(jnp.int32, (16,), 0)
    zero16 = jnp.zeros((16,), jnp.int32)

    pltpu.sync_copy(pts_hbm.at[pl.ds(batch * 128, 128)], x_v)
    pltpu.sync_copy(pts_hbm.at[pl.ds(1024 + batch * 128, 128)], y_v)
    pltpu.sync_copy(pts_hbm.at[pl.ds(2048 + batch * 128, 128)], z_v)
    pltpu.sync_copy(t16_hbm.at[pl.ds(base, ROWS_PW)], t_v)
    pltpu.sync_copy(c16_hbm.at[pl.ds(base, ROWS_PW)], c_v)

    pltpu.async_copy(d2_hbm.at[pl.ds(base, 1)], db0, sem0)

    def row_body(r, _):
        grow = base + r
        even = lax.rem(r, 2) == 0

        @pl.when((r + 1 < ROWS_PW) & even)
        def _():
            pltpu.async_copy(d2_hbm.at[pl.ds(grow + 1, 1)], db1, sem1)

        @pl.when((r + 1 < ROWS_PW) & jnp.logical_not(even))
        def _():
            pltpu.async_copy(d2_hbm.at[pl.ds(grow + 1, 1)], db0, sem0)

        @pl.when(even)
        def _():
            pltpu.make_async_copy(d2_hbm.at[pl.ds(grow, 1)], db0, sem0).wait()

        @pl.when(jnp.logical_not(even))
        def _():
            pltpu.make_async_copy(d2_hbm.at[pl.ds(grow, 1)], db1, sem1).wait()

        tvec = t_v[r]

        def fill(j, _):
            cand_d[pl.ds(j * 16, 16)] = jnp.full((16,), jnp.inf, jnp.float32)
            return 0

        lax.fori_loop(0, CAP // 16, fill, 0)

        def compact(db):
            def cbody(c, p):
                v = db[0, pl.ds(c * 16, 16)]
                m = v <= tvec
                cnt = jnp.sum(m.astype(jnp.int32))
                ok = (cnt > 0) & (p <= CAP - 16)

                @pl.when(ok)
                def _():
                    plsc.store_compressed(cand_d.at[pl.ds(p, 16)], v, mask=m)
                    plsc.store_compressed(cand_i.at[pl.ds(p, 16)],
                                          lane + c * 16, mask=m)

                return jnp.where(ok, p + cnt, p)

            return lax.fori_loop(0, N // 16, cbody, 0)

        p = lax.cond(even, lambda: compact(db0), lambda: compact(db1))
        nvec = lax.div(p + 15, 16)

        inf16 = jnp.full((16,), jnp.inf, jnp.float32)

        def extract(k, st):
            s0, s1 = st

            def minb(j, mv):
                return jnp.minimum(mv, cand_d[pl.ds(j * 16, 16)])

            mv = lax.fori_loop(0, nvec, minb, inf16)
            msc = jnp.min(mv)

            def find(j, st2):
                found, jstar = st2
                eq = cand_d[pl.ds(j * 16, 16)] == msc
                has = jnp.max(eq.astype(jnp.int32)) > 0
                first = jnp.logical_and(jnp.logical_not(found), has)
                jstar = jnp.where(first, j, jstar)
                return jnp.logical_or(found, has), jstar

            _, jstar = lax.fori_loop(0, nvec, find,
                                     (jnp.bool_(False), jnp.int32(0)))
            v = cand_d[pl.ds(jstar * 16, 16)]
            eq = v == msc
            lsel = jnp.min(jnp.where(eq, lane, 16))
            hit = lane == lsel
            nidx = jnp.sum(jnp.where(hit, cand_i[pl.ds(jstar * 16, 16)], 0))
            cand_d[pl.ds(jstar * 16, 16)] = jnp.where(hit, jnp.inf, v)
            s0 = jnp.where(lane == k, nidx, s0)
            s1 = jnp.where(lane == (k - 16), nidx, s1)
            return s0, s1

        s0, s1 = lax.fori_loop(0, K, extract, (zero16, zero16))

        cxv = c_v[r, pl.ds(0, 16)]
        cyv = c_v[r, pl.ds(16, 16)]
        czv = c_v[r, pl.ds(32, 16)]
        ob = r * 96
        s0h = lax.shift_right_logical(s0, 7)
        s0l = jnp.bitwise_and(s0, 127)
        s1h = lax.shift_right_logical(s1, 7)
        s1l = jnp.bitwise_and(s1, 127)
        out_v[pl.ds(ob, 16)] = plsc.load_gather(x_v, [s0h, s0l]) - cxv
        out_v[pl.ds(ob + 16, 16)] = plsc.load_gather(x_v, [s1h, s1l]) - cxv
        out_v[pl.ds(ob + 32, 16)] = plsc.load_gather(y_v, [s0h, s0l]) - cyv
        out_v[pl.ds(ob + 48, 16)] = plsc.load_gather(y_v, [s1h, s1l]) - cyv
        out_v[pl.ds(ob + 64, 16)] = plsc.load_gather(z_v, [s0h, s0l]) - czv
        out_v[pl.ds(ob + 80, 16)] = plsc.load_gather(z_v, [s1h, s1l]) - czv
        return 0

    lax.fori_loop(0, ROWS_PW, row_body, 0, unroll=False)
    pltpu.sync_copy(out_v, out_hbm.at[pl.ds(base * 96, ROWS_PW * 96)])


def _sc_select(d2, t16, c16, pts):
    mesh = plsc.VectorSubcoreMesh(core_axis_name="c", subcore_axis_name="s")
    kfn = pl.kernel(
        _sc_kernel,
        mesh=mesh,
        compiler_params=pltpu.CompilerParams(needs_layout_passes=False),
        out_type=jax.ShapeDtypeStruct((NROW * 96,), jnp.float32),
        scratch_types=[
            pltpu.VMEM((128, 128), jnp.float32),
            pltpu.VMEM((128, 128), jnp.float32),
            pltpu.VMEM((128, 128), jnp.float32),
            pltpu.VMEM((1, N), jnp.float32),
            pltpu.VMEM((1, N), jnp.float32),
            pltpu.VMEM((ROWS_PW, 16), jnp.float32),
            pltpu.VMEM((ROWS_PW, 48), jnp.float32),
            pltpu.VMEM((CAP,), jnp.float32),
            pltpu.VMEM((CAP,), jnp.int32),
            pltpu.VMEM((ROWS_PW * 96,), jnp.float32),
            pltpu.SemaphoreType.DMA,
            pltpu.SemaphoreType.DMA,
        ],
    )
    return kfn(d2, t16, c16, pts)


def kernel(p1):
    xs = p1[:, :, 0]
    ys = p1[:, :, 1]
    zs = p1[:, :, 2]
    xr = jnp.reshape(xs, (B * 128, 128))
    yr = jnp.reshape(ys, (B * 128, 128))
    zr = jnp.reshape(zs, (B * 128, 128))

    cx, cy, cz = _fps_sort(xr, yr, zr)
    cx, cy, cz = _sort_centroids(cx, cy, cz)

    a8 = jnp.concatenate([jnp.stack([cx, cy, cz], axis=2),
                          jnp.zeros((B, M, 5), jnp.float32)], axis=2)
    p8 = jnp.concatenate([p1, jnp.zeros((B, N, 5), jnp.float32)], axis=2)

    d2r, cm = _d2_strips(a8, p8)
    t16 = _threshold(cm)

    t16r = jnp.reshape(t16, (NROW, 16))
    c16 = jnp.reshape(
        jnp.broadcast_to(
            jnp.reshape(jnp.stack([cx, cy, cz], axis=2), (NROW, 3, 1)),
            (NROW, 3, 16)),
        (NROW, 48))
    pts = jnp.reshape(jnp.stack([xr, yr, zr], axis=0), (3 * B * 128, 128))

    out = _sc_select(d2r, t16r, c16, pts)
    return jnp.reshape(out, (B, M, 3 * K))

# --- scband reference (transcript-rebuilt; emitter-appended) ---
"""Pipeline reference for scband-get-new-points-11948599018348 (READ-ONLY COPY).

The authoritative reference and input builder live on the scoring server;
editing this copy changes nothing except your own understanding.
"""

import jax, jax.numpy as jnp
import numpy as np

NUM_CLUSTERS = 256
NUM_NEIGHBORS = 32


def setup_inputs(seed: int = 0) -> dict:
    key = jax.random.key(seed)
    p1 = jax.random.normal(key, (8, 16384, 3), dtype=jnp.float32)
    return {"p1": p1}


def _fps(xyz, m):
    # furthest point sampling, starting from index 0 (matches pointops.furthestsampling)
    b, n, _ = xyz.shape
    dists0 = jnp.full((b, n), 1e10, dtype=xyz.dtype)
    far0 = jnp.zeros((b,), dtype=jnp.int32)
    idx0 = jnp.zeros((b, m), dtype=jnp.int32)

    def body(i, state):
        idxs, dists, far = state
        idxs = idxs.at[:, i].set(far)
        centroid = xyz[jnp.arange(b), far][:, None, :]
        d = jnp.sum((xyz - centroid) ** 2, axis=-1)
        dists = jnp.minimum(dists, d)
        far = jnp.argmax(dists, axis=-1).astype(jnp.int32)
        return (idxs, dists, far)

    idxs, _, _ = jax.lax.fori_loop(0, m, body, (idx0, dists0, far0))
    return idxs


def _sort_points_idx(p):
    # shift each coordinate by its global min, sort by squared distance to origin
    mins = jnp.stack([p[:, :, 0].min(), p[:, :, 1].min(), p[:, :, 2].min()])
    shifted = p - mins[None, None, :]
    distance = jnp.sum(shifted * shifted, axis=-1)
    return jnp.argsort(distance, axis=1)


def reference(p1):
    b, n, c = p1.shape
    barange = jnp.arange(b)
    # furthest point sampling + gathering
    idx = _fps(p1, NUM_CLUSTERS)
    p2 = p1[barange[:, None], idx]  # (b, m, 3)
    # sort_points
    sidx = _sort_points_idx(p2)
    p2 = p2[barange[:, None], sidx]
    # kNN query: for each centroid, 32 nearest points in p1 (ascending distance)
    d2 = (jnp.sum(p2 * p2, axis=-1)[:, :, None]
          + jnp.sum(p1 * p1, axis=-1)[:, None, :]
          - 2.0 * jnp.einsum('bmc,bnc->bmn', p2, p1))
    _, knn_idx = jax.lax.top_k(-d2, NUM_NEIGHBORS)  # (b, m, ns)
    grouped = p1[barange[:, None, None], knn_idx]  # (b, m, ns, 3)
    # use_xyz=True: relative coordinates grouped_xyz - new_xyz
    rel = grouped - p2[:, :, None, :]  # (b, m, ns, 3)
    # pointops returns (b, c, m, ns); torch code does .transpose(1,2).reshape(b, m, c*ns)
    out = jnp.transpose(rel, (0, 1, 3, 2)).reshape(b, NUM_CLUSTERS, c * NUM_NEIGHBORS)
    return out

if __name__ == "__main__":
    import jax
    _d = setup_inputs()
    print(jax.jit(kernel)(*tuple(_d.values())))

</pallas_src>

<mosaic_0001>
#map = affine_map<(d0, d1) -> (0, 0)>
#map1 = affine_map<(d0, d1) -> (0)>
module attributes {stable_mosaic.version = 14 : i64} {
  func.func @_sc_kernel(%arg0: i32, %arg1: i32, %arg2: memref<2048x16384xf32, #tpu.memory_space<hbm>>, %arg3: memref<2048x16xf32, #tpu.memory_space<hbm>>, %arg4: memref<2048x48xf32, #tpu.memory_space<hbm>>, %arg5: memref<3072x128xf32, #tpu.memory_space<hbm>>, %arg6: memref<196608xf32, #tpu.memory_space<hbm>>, %arg7: memref<128x128xf32, #tpu.memory_space<vmem>>, %arg8: memref<128x128xf32, #tpu.memory_space<vmem>>, %arg9: memref<128x128xf32, #tpu.memory_space<vmem>>, %arg10: memref<1x16384xf32, #tpu.memory_space<vmem>>, %arg11: memref<1x16384xf32, #tpu.memory_space<vmem>>, %arg12: memref<64x16xf32, #tpu.memory_space<vmem>>, %arg13: memref<64x48xf32, #tpu.memory_space<vmem>>, %arg14: memref<512xf32, #tpu.memory_space<vmem>>, %arg15: memref<512xi32, #tpu.memory_space<vmem>>, %arg16: memref<6144xf32, #tpu.memory_space<vmem>>, %arg17: memref<!tpu.dma_semaphore, #tpu.memory_space<semaphore_mem>>, %arg18: memref<!tpu.dma_semaphore, #tpu.memory_space<semaphore_mem>>) attributes {dimension_semantics = [#tpu.dimension_semantics<core_parallel>, #tpu.dimension_semantics<subcore_parallel>], iteration_bounds = array<i64: 2, 16>, scalar_prefetch = 0 : i64, scratch_operands = 12 : i64, tpu.core_type = #tpu.core_type<sc_vector_subcore>, window_params = [{transform_indices = #map}, {transform_indices = #map}, {transform_indices = #map}, {transform_indices = #map}, {transform_indices = #map1}]} {
    %mul3A = arith.constant 2 : i32
    %mul3A_0 = arith.muli %arg1, %mul3A : i32
    %add3A = arith.addi %mul3A_0, %arg0 : i32
    %jit3A = arith.constant 4 : i32
    %div3A = arith.divsi %add3A, %jit3A : i32
    %sign3A = arith.constant 0 : i32
    %sign3A_1 = arith.cmpi sgt, %add3A, %sign3A : i32
    %sign3A_2 = arith.extui %sign3A_1 : i1 to i32
    %sign3A_3 = arith.constant 0 : i32
    %sign3A_4 = arith.cmpi slt, %add3A, %sign3A_3 : i32
    %sign3A_5 = arith.extui %sign3A_4 : i1 to i32
    %sign3A_6 = arith.subi %sign3A_2, %sign3A_5 : i32
    %sign3A_7 = arith.constant 0 : i32
    %sign3A_8 = arith.cmpi sgt, %jit3A, %sign3A_7 : i32
    %sign3A_9 = arith.extui %sign3A_8 : i1 to i32
    %sign3A_10 = arith.constant 0 : i32
    %sign3A_11 = arith.cmpi slt, %jit3A, %sign3A_10 : i32
    %sign3A_12 = arith.extui %sign3A_11 : i1 to i32
    %sign3A_13 = arith.subi %sign3A_9, %sign3A_12 : i32
    %ne3A = arith.cmpi ne, %sign3A_6, %sign3A_13 : i32
    %rem3A = arith.remsi %add3A, %jit3A : i32
    %ne3A_14 = arith.constant 0 : i32
    %ne3A_15 = arith.cmpi ne, %rem3A, %ne3A_14 : i32
    %and3A = arith.andi %ne3A, %ne3A_15 : i1
    %sub3A = arith.constant 1 : i32
    %sub3A_16 = arith.subi %div3A, %sub3A : i32
    %select_n3A = arith.select %and3A, %sub3A_16, %div3A : i32
    %mul3A_17 = arith.constant 64 : i32
    %mul3A_18 = arith.muli %add3A, %mul3A_17 : i32
    %iota3A = tpu.iota {dimensions = array<i32: 0>} : vector<16xi32>
    %broadcast_in_dim3A = arith.constant 0 : i32
    %broadcast_in_dim3A_19 = vector.broadcast %broadcast_in_dim3A : i32 to vector<16xi32>
    %mul3A_20 = arith.constant 128 : i32
    %mul3A_21 = arith.muli %select_n3A, %mul3A_20 : i32
    "tpu.region"() ({
      %run_scoped3A = tpu.sem_alloc : memref<!tpu.dma_semaphore, #tpu.memory_space<semaphore_mem>>
      %dma_start3A_41 = arith.constant 0 : i32
      %dma_start3A_42 = tpu.memref_slice %arg5[%mul3A_21, %dma_start3A_41] : memref<3072x128xf32, #tpu.memory_space<hbm>> -> memref<128x128xf32, #tpu.memory_space<hbm>>
      %dma_start3A_43 = arith.constant 0 : i32
      %dma_start3A_44 = tpu.memref_slice %arg5[%mul3A_21, %dma_start3A_43] : memref<3072x128xf32, #tpu.memory_space<hbm>> -> memref<128x128xf32, #tpu.memory_space<hbm>>
      tpu.enqueue_dma source(%dma_start3A_44 : memref<128x128xf32, #tpu.memory_space<hbm>>) target(%arg7 : memref<128x128xf32, #tpu.memory_space<vmem>>) target_semaphore(%run_scoped3A : memref<!tpu.dma_semaphore, #tpu.memory_space<semaphore_mem>>)
      %dma_wait3A = arith.constant 0 : i32
      %dma_wait3A_45 = tpu.memref_slice %arg5[%mul3A_21, %dma_wait3A] : memref<3072x128xf32, #tpu.memory_space<hbm>> -> memref<128x128xf32, #tpu.memory_space<hbm>>
      %dma_wait3A_46 = arith.constant 0 : i32
      %dma_wait3A_47 = tpu.memref_slice %arg5[%mul3A_21, %dma_wait3A_46] : memref<3072x128xf32, #tpu.memory_space<hbm>> -> memref<128x128xf32, #tpu.memory_space<hbm>>
      tpu.wait_dma2 semaphore(%run_scoped3A : memref<!tpu.dma_semaphore, #tpu.memory_space<semaphore_mem>>) src(%dma_wait3A_47 : memref<128x128xf32, #tpu.memory_space<hbm>>) dst(%arg7 : memref<128x128xf32, #tpu.memory_space<vmem>>)
      tpu.yield
    }) : () -> ()
    %mul3A_22 = arith.constant 128 : i32
    %mul3A_23 = arith.muli %select_n3A, %mul3A_22 : i32
    %add3A_24 = arith.constant 1024 : i32
    %add3A_25 = arith.addi %add3A_24, %mul3A_23 : i32
    "tpu.region"() ({
      %run_scoped3A = tpu.sem_alloc : memref<!tpu.dma_semaphore, #tpu.memory_space<semaphore_mem>>
      %dma_start3A_41 = arith.constant 0 : i32
      %dma_start3A_42 = tpu.memref_slice %arg5[%add3A_25, %dma_start3A_41] : memref<3072x128xf32, #tpu.memory_space<hbm>> -> memref<128x128xf32, #tpu.memory_space<hbm>>
      %dma_start3A_43 = arith.constant 0 : i32
      %dma_start3A_44 = tpu.memref_slice %arg5[%add3A_25, %dma_start3A_43] : memref<3072x128xf32, #tpu.memory_space<hbm>> -> memref<128x128xf32, #tpu.memory_space<hbm>>
      tpu.enqueue_dma source(%dma_start3A_44 : memref<128x128xf32, #tpu.memory_space<hbm>>) target(%arg8 : memref<128x128xf32, #tpu.memory_space<vmem>>) target_semaphore(%run_scoped3A : memref<!tpu.dma_semaphore, #tpu.memory_space<semaphore_mem>>)
      %dma_wait3A = arith.constant 0 : i32
      %dma_wait3A_45 = tpu.memref_slice %arg5[%add3A_25, %dma_wait3A] : memref<3072x128xf32, #tpu.memory_space<hbm>> -> memref<128x128xf32, #tpu.memory_space<hbm>>
      %dma_wait3A_46 = arith.constant 0 : i32
      %dma_wait3A_47 = tpu.memref_slice %arg5[%add3A_25, %dma_wait3A_46] : memref<3072x128xf32, #tpu.memory_space<hbm>> -> memref<128x128xf32, #tpu.memory_space<hbm>>
      tpu.wait_dma2 semaphore(%run_scoped3A : memref<!tpu.dma_semaphore, #tpu.memory_space<semaphore_mem>>) src(%dma_wait3A_47 : memref<128x128xf32, #tpu.memory_space<hbm>>) dst(%arg8 : memref<128x128xf32, #tpu.memory_space<vmem>>)
      tpu.yield
    }) : () -> ()
    %mul3A_26 = arith.constant 128 : i32
    %mul3A_27 = arith.muli %select_n3A, %mul3A_26 : i32
    %add3A_28 = arith.constant 2048 : i32
    %add3A_29 = arith.addi %add3A_28, %mul3A_27 : i32
    "tpu.region"() ({
      %run_scoped3A = tpu.sem_alloc : memref<!tpu.dma_semaphore, #tpu.memory_space<semaphore_mem>>
      %dma_start3A_41 = arith.constant 0 : i32
      %dma_start3A_42 = tpu.memref_slice %arg5[%add3A_29, %dma_start3A_41] : memref<3072x128xf32, #tpu.memory_space<hbm>> -> memref<128x128xf32, #tpu.memory_space<hbm>>
      %dma_start3A_43 = arith.constant 0 : i32
      %dma_start3A_44 = tpu.memref_slice %arg5[%add3A_29, %dma_start3A_43] : memref<3072x128xf32, #tpu.memory_space<hbm>> -> memref<128x128xf32, #tpu.memory_space<hbm>>
      tpu.enqueue_dma source(%dma_start3A_44 : memref<128x128xf32, #tpu.memory_space<hbm>>) target(%arg9 : memref<128x128xf32, #tpu.memory_space<vmem>>) target_semaphore(%run_scoped3A : memref<!tpu.dma_semaphore, #tpu.memory_space<semaphore_mem>>)
      %dma_wait3A = arith.constant 0 : i32
      %dma_wait3A_45 = tpu.memref_slice %arg5[%add3A_29, %dma_wait3A] : memref<3072x128xf32, #tpu.memory_space<hbm>> -> memref<128x128xf32, #tpu.memory_space<hbm>>
      %dma_wait3A_46 = arith.constant 0 : i32
      %dma_wait3A_47 = tpu.memref_slice %arg5[%add3A_29, %dma_wait3A_46] : memref<3072x128xf32, #tpu.memory_space<hbm>> -> memref<128x128xf32, #tpu.memory_space<hbm>>
      tpu.wait_dma2 semaphore(%run_scoped3A : memref<!tpu.dma_semaphore, #tpu.memory_space<semaphore_mem>>) src(%dma_wait3A_47 : memref<128x128xf32, #tpu.memory_space<hbm>>) dst(%arg9 : memref<128x128xf32, #tpu.memory_space<vmem>>)
      tpu.yield
    }) : () -> ()
    "tpu.region"() ({
      %run_scoped3A = tpu.sem_alloc : memref<!tpu.dma_semaphore, #tpu.memory_space<semaphore_mem>>
      %dma_start3A_41 = arith.constant 0 : i32
      %dma_start3A_42 = tpu.memref_slice %arg3[%mul3A_18, %dma_start3A_41] : memref<2048x16xf32, #tpu.memory_space<hbm>> -> memref<64x16xf32, #tpu.memory_space<hbm>>
      %dma_start3A_43 = arith.constant 0 : i32
      %dma_start3A_44 = tpu.memref_slice %arg3[%mul3A_18, %dma_start3A_43] : memref<2048x16xf32, #tpu.memory_space<hbm>> -> memref<64x16xf32, #tpu.memory_space<hbm>>
      tpu.enqueue_dma source(%dma_start3A_44 : memref<64x16xf32, #tpu.memory_space<hbm>>) target(%arg12 : memref<64x16xf32, #tpu.memory_space<vmem>>) target_semaphore(%run_scoped3A : memref<!tpu.dma_semaphore, #tpu.memory_space<semaphore_mem>>)
      %dma_wait3A = arith.constant 0 : i32
      %dma_wait3A_45 = tpu.memref_slice %arg3[%mul3A_18, %dma_wait3A] : memref<2048x16xf32, #tpu.memory_space<hbm>> -> memref<64x16xf32, #tpu.memory_space<hbm>>
      %dma_wait3A_46 = arith.constant 0 : i32
      %dma_wait3A_47 = tpu.memref_slice %arg3[%mul3A_18, %dma_wait3A_46] : memref<2048x16xf32, #tpu.memory_space<hbm>> -> memref<64x16xf32, #tpu.memory_space<hbm>>
      tpu.wait_dma2 semaphore(%run_scoped3A : memref<!tpu.dma_semaphore, #tpu.memory_space<semaphore_mem>>) src(%dma_wait3A_47 : memref<64x16xf32, #tpu.memory_space<hbm>>) dst(%arg12 : memref<64x16xf32, #tpu.memory_space<vmem>>)
      tpu.yield
    }) : () -> ()
    "tpu.region"() ({
      %run_scoped3A = tpu.sem_alloc : memref<!tpu.dma_semaphore, #tpu.memory_space<semaphore_mem>>
      %dma_start3A_41 = arith.constant 0 : i32
      %dma_start3A_42 = tpu.memref_slice %arg4[%mul3A_18, %dma_start3A_41] : memref<2048x48xf32, #tpu.memory_space<hbm>> -> memref<64x48xf32, #tpu.memory_space<hbm>>
      %dma_start3A_43 = arith.constant 0 : i32
      %dma_start3A_44 = tpu.memref_slice %arg4[%mul3A_18, %dma_start3A_43] : memref<2048x48xf32, #tpu.memory_space<hbm>> -> memref<64x48xf32, #tpu.memory_space<hbm>>
      tpu.enqueue_dma source(%dma_start3A_44 : memref<64x48xf32, #tpu.memory_space<hbm>>) target(%arg13 : memref<64x48xf32, #tpu.memory_space<vmem>>) target_semaphore(%run_scoped3A : memref<!tpu.dma_semaphore, #tpu.memory_space<semaphore_mem>>)
      %dma_wait3A = arith.constant 0 : i32
      %dma_wait3A_45 = tpu.memref_slice %arg4[%mul3A_18, %dma_wait3A] : memref<2048x48xf32, #tpu.memory_space<hbm>> -> memref<64x48xf32, #tpu.memory_space<hbm>>
      %dma_wait3A_46 = arith.constant 0 : i32
      %dma_wait3A_47 = tpu.memref_slice %arg4[%mul3A_18, %dma_wait3A_46] : memref<2048x48xf32, #tpu.memory_space<hbm>> -> memref<64x48xf32, #tpu.memory_space<hbm>>
      tpu.wait_dma2 semaphore(%run_scoped3A : memref<!tpu.dma_semaphore, #tpu.memory_space<semaphore_mem>>) src(%dma_wait3A_47 : memref<64x48xf32, #tpu.memory_space<hbm>>) dst(%arg13 : memref<64x48xf32, #tpu.memory_space<vmem>>)
      tpu.yield
    }) : () -> ()
    %dma_start3A = arith.constant 0 : i32
    %dma_start3A_30 = tpu.memref_slice %arg2[%mul3A_18, %dma_start3A] : memref<2048x16384xf32, #tpu.memory_space<hbm>> -> memref<1x16384xf32, #tpu.memory_space<hbm>>
    %dma_start3A_31 = arith.constant 0 : i32
    %dma_start3A_32 = tpu.memref_slice %arg2[%mul3A_18, %dma_start3A_31] : memref<2048x16384xf32, #tpu.memory_space<hbm>> -> memref<1x16384xf32, #tpu.memory_space<hbm>>
    tpu.enqueue_dma source(%dma_start3A_32 : memref<1x16384xf32, #tpu.memory_space<hbm>>) target(%arg10 : memref<1x16384xf32, #tpu.memory_space<vmem>>) target_semaphore(%arg17 : memref<!tpu.dma_semaphore, #tpu.memory_space<semaphore_mem>>)
    %scan3A = arith.constant 0 : i32
    %scan3A_33 = arith.constant 0 : i32
    %scan3A_34 = arith.constant 64 : i32
    %scan3A_35 = arith.addi %scan3A_33, %scan3A_34 : i32
    %scan3A_36 = arith.constant 1 : i32
    %scan3A_37 = scf.for %scan3A_41 = %scan3A_33 to %scan3A_35 step %scan3A_36 iter_args(%scan3A_42 = %scan3A) -> (i32)  : i32 {
      %add3A_43 = arith.addi %mul3A_18, %scan3A_41 : i32
      %rem3A_44 = arith.constant 2 : i32
      %rem3A_45 = arith.remsi %scan3A_41, %rem3A_44 : i32
      %eq3A = arith.constant 0 : i32
      %eq3A_46 = arith.cmpi eq, %rem3A_45, %eq3A : i32
      %add3A_47 = arith.constant 1 : i32
      %add3A_48 = arith.addi %scan3A_41, %add3A_47 : i32
      %lt3A = arith.constant 64 : i32
      %lt3A_49 = arith.cmpi slt, %add3A_48, %lt3A : i32
      %and3A_50 = arith.andi %lt3A_49, %eq3A_46 : i1
      %convert_element_type3A = arith.extui %and3A_50 : i1 to i32
      %cond3A = arith.constant 0 : i32
      %cond3A_51 = arith.cmpi ne, %convert_element_type3A, %cond3A : i32
      scf.if %cond3A_51 {
        %add3A_149 = arith.constant 1 : i32
        %add3A_150 = arith.addi %add3A_43, %add3A_149 : i32
        %dma_start3A_151 = arith.constant 0 : i32
        %dma_start3A_152 = tpu.memref_slice %arg2[%add3A_150, %dma_start3A_151] : memref<2048x16384xf32, #tpu.memory_space<hbm>> -> memref<1x16384xf32, #tpu.memory_space<hbm>>
        %dma_start3A_153 = arith.constant 0 : i32
        %dma_start3A_154 = tpu.memref_slice %arg2[%add3A_150, %dma_start3A_153] : memref<2048x16384xf32, #tpu.memory_space<hbm>> -> memref<1x16384xf32, #tpu.memory_space<hbm>>
        tpu.enqueue_dma source(%dma_start3A_154 : memref<1x16384xf32, #tpu.memory_space<hbm>>) target(%arg11 : memref<1x16384xf32, #tpu.memory_space<vmem>>) target_semaphore(%arg18 : memref<!tpu.dma_semaphore, #tpu.memory_space<semaphore_mem>>)
      } else {
      }
      %add3A_52 = arith.constant 1 : i32
      %add3A_53 = arith.addi %scan3A_41, %add3A_52 : i32
      %lt3A_54 = arith.constant 64 : i32
      %lt3A_55 = arith.cmpi slt, %add3A_53, %lt3A_54 : i32
      %not3A = arith.constant true
      %not3A_56 = arith.xori %eq3A_46, %not3A : i1
      %and3A_57 = arith.andi %lt3A_55, %not3A_56 : i1
      %convert_element_type3A_58 = arith.extui %and3A_57 : i1 to i32
      %cond3A_59 = arith.constant 0 : i32
      %cond3A_60 = arith.cmpi ne, %convert_element_type3A_58, %cond3A_59 : i32
      scf.if %cond3A_60 {
        %add3A_149 = arith.constant 1 : i32
        %add3A_150 = arith.addi %add3A_43, %add3A_149 : i32
        %dma_start3A_151 = arith.constant 0 : i32
        %dma_start3A_152 = tpu.memref_slice %arg2[%add3A_150, %dma_start3A_151] : memref<2048x16384xf32, #tpu.memory_space<hbm>> -> memref<1x16384xf32, #tpu.memory_space<hbm>>
        %dma_start3A_153 = arith.constant 0 : i32
        %dma_start3A_154 = tpu.memref_slice %arg2[%add3A_150, %dma_start3A_153] : memref<2048x16384xf32, #tpu.memory_space<hbm>> -> memref<1x16384xf32, #tpu.memory_space<hbm>>
        tpu.enqueue_dma source(%dma_start3A_154 : memref<1x16384xf32, #tpu.memory_space<hbm>>) target(%arg10 : memref<1x16384xf32, #tpu.memory_space<vmem>>) target_semaphore(%arg17 : memref<!tpu.dma_semaphore, #tpu.memory_space<semaphore_mem>>)
      } else {
      }
      %convert_element_type3A_61 = arith.extui %eq3A_46 : i1 to i32
      %cond3A_62 = arith.constant 0 : i32
      %cond3A_63 = arith.cmpi ne, %convert_element_type3A_61, %cond3A_62 : i32
      scf.if %cond3A_63 {
        %dma_wait3A = arith.constant 0 : i32
        %dma_wait3A_149 = tpu.memref_slice %arg2[%add3A_43, %dma_wait3A] : memref<2048x16384xf32, #tpu.memory_space<hbm>> -> memref<1x16384xf32, #tpu.memory_space<hbm>>
        %dma_wait3A_150 = arith.constant 0 : i32
        %dma_wait3A_151 = tpu.memref_slice %arg2[%add3A_43, %dma_wait3A_150] : memref<2048x16384xf32, #tpu.memory_space<hbm>> -> memref<1x16384xf32, #tpu.memory_space<hbm>>
        tpu.wait_dma2 semaphore(%arg17 : memref<!tpu.dma_semaphore, #tpu.memory_space<semaphore_mem>>) src(%dma_wait3A_151 : memref<1x16384xf32, #tpu.memory_space<hbm>>) dst(%arg10 : memref<1x16384xf32, #tpu.memory_space<vmem>>)
      } else {
      }
      %not3A_64 = arith.constant true
      %not3A_65 = arith.xori %eq3A_46, %not3A_64 : i1
      %convert_element_type3A_66 = arith.extui %not3A_65 : i1 to i32
      %cond3A_67 = arith.constant 0 : i32
      %cond3A_68 = arith.cmpi ne, %convert_element_type3A_66, %cond3A_67 : i32
      scf.if %cond3A_68 {
        %dma_wait3A = arith.constant 0 : i32
        %dma_wait3A_149 = tpu.memref_slice %arg2[%add3A_43, %dma_wait3A] : memref<2048x16384xf32, #tpu.memory_space<hbm>> -> memref<1x16384xf32, #tpu.memory_space<hbm>>
        %dma_wait3A_150 = arith.constant 0 : i32
        %dma_wait3A_151 = tpu.memref_slice %arg2[%add3A_43, %dma_wait3A_150] : memref<2048x16384xf32, #tpu.memory_space<hbm>> -> memref<1x16384xf32, #tpu.memory_space<hbm>>
        tpu.wait_dma2 semaphore(%arg18 : memref<!tpu.dma_semaphore, #tpu.memory_space<semaphore_mem>>) src(%dma_wait3A_151 : memref<1x16384xf32, #tpu.memory_space<hbm>>) dst(%arg11 : memref<1x16384xf32, #tpu.memory_space<vmem>>)
      } else {
      }
      %get3A = arith.index_cast %scan3A_41 : i32 to index
      %get3A_69 = arith.constant 0 : index
      %get3A_70 = tpu.vector_load %arg12[%get3A, %get3A_69] {strides = array<i32>} : memref<64x16xf32, #tpu.memory_space<vmem>>, vector<16xf32>,
      %scan3A_71 = arith.constant 0 : i32
      %scan3A_72 = arith.constant 0 : i32
      %scan3A_73 = arith.constant 32 : i32
      %scan3A_74 = arith.addi %scan3A_72, %scan3A_73 : i32
      %scan3A_75 = arith.constant 1 : i32
      %scan3A_76 = scf.for %scan3A_149 = %scan3A_72 to %scan3A_74 step %scan3A_75 iter_args(%scan3A_150 = %scan3A_71) -> (i32)  : i32 {
        %broadcast_in_dim3A_151 = arith.constant 0x7F800000 : f32
        %broadcast_in_dim3A_152 = vector.broadcast %broadcast_in_dim3A_151 : f32 to vector<16xf32>
        %mul3A_153 = arith.constant 16 : i32
        %mul3A_154 = arith.muli %scan3A_149, %mul3A_153 : i32
        %swap3A_155 = arith.index_cast %mul3A_154 : i32 to index
        %swap3A_156 = tpu.vector_load %arg14[%swap3A_155] {strides = array<i32>} : memref<512xf32, #tpu.memory_space<vmem>>, vector<16xf32>,
        tpu.vector_store %arg14[%swap3A_155], %broadcast_in_dim3A_152 {strides = array<i32>} : memref<512xf32, #tpu.memory_space<vmem>>, vector<16xf32>,
        %scan3A_157 = arith.constant 0 : i32
        scf.yield %scan3A_157 : i32
      }
      %scan3A_77 = arith.constant 32 : i32
      %convert_element_type3A_78 = arith.extui %eq3A_46 : i1 to i32
      %cond3A_79 = arith.constant 0 : i32
      %cond3A_80 = arith.cmpi ne, %convert_element_type3A_78, %cond3A_79 : i32
      %cond3A_81 = scf.if %cond3A_80 -> (i32) {
        %scan3A_149 = arith.constant 0 : i32
        %scan3A_150 = arith.constant 0 : i32
        %scan3A_151 = arith.constant 1024 : i32
        %scan3A_152 = arith.addi %scan3A_150, %scan3A_151 : i32
        %scan3A_153 = arith.constant 1 : i32
        %scan3A_154 = scf.for %scan3A_156 = %scan3A_150 to %scan3A_152 step %scan3A_153 iter_args(%scan3A_157 = %scan3A_149) -> (i32)  : i32 {
          %mul3A_158 = arith.constant 16 : i32
          %mul3A_159 = arith.muli %scan3A_156, %mul3A_158 : i32
          %get3A_160 = arith.constant 0 : i32
          %get3A_161 = arith.index_cast %get3A_160 : i32 to index
          %get3A_162 = arith.index_cast %mul3A_159 : i32 to index
          %get3A_163 = tpu.vector_load %arg10[%get3A_161, %get3A_162] {strides = array<i32>} : memref<1x16384xf32, #tpu.memory_space<vmem>>, vector<16xf32>,
          %le3A = arith.cmpf ole, %get3A_163, %get3A_70 : vector<16xf32>
          %convert_element_type3A_164 = arith.extui %le3A : vector<16xi1> to vector<16xi32>
          %reduce_sum3A = arith.constant true
          %reduce_sum3A_165 = vector.broadcast %reduce_sum3A : i1 to vector<16xi1>
          %reduce_sum3A_166 = tpu.scan <sum>, %convert_element_type3A_164 masked %reduce_sum3A_165 : vector<16xi32>, vector<16xi1> -> vector<16xi32>
          %reduce_sum3A_167 = vector.extract %reduce_sum3A_166[15] : i32 from vector<16xi32>
          %gt3A = arith.constant 0 : i32
          %gt3A_168 = arith.cmpi sgt, %reduce_sum3A_167, %gt3A : i32
          %le3A_169 = arith.constant 496 : i32
          %le3A_170 = arith.cmpi sle, %scan3A_157, %le3A_169 : i32
          %and3A_171 = arith.andi %gt3A_168, %le3A_170 : i1
          %convert_element_type3A_172 = arith.extui %and3A_171 : i1 to i32
          %cond3A_173 = arith.constant 0 : i32
          %cond3A_174 = arith.cmpi ne, %convert_element_type3A_172, %cond3A_173 : i32
          scf.if %cond3A_174 {
            %swap3A_177 = arith.index_cast %scan3A_157 : i32 to index
            %swap3A_178 = tpu.vector_load %arg14[%swap3A_177] masked %le3A {strides = array<i32>} : memref<512xf32, #tpu.memory_space<vmem>>, vector<16xf32>, vector<16xi1>
            tpu.vector_store %arg14[%swap3A_177], %get3A_163 masked %le3A {strides = array<i32>} : memref<512xf32, #tpu.memory_space<vmem>>, vector<16xf32>, vector<16xi1>
            %mul3A_179 = arith.constant 16 : i32
            %mul3A_180 = arith.muli %scan3A_156, %mul3A_179 : i32
            %add3A_181 = vector.broadcast %mul3A_180 : i32 to vector<16xi32>
            %add3A_182 = arith.addi %iota3A, %add3A_181 : vector<16xi32>
            %swap3A_183 = arith.index_cast %scan3A_157 : i32 to index
            %swap3A_184 = tpu.vector_load %arg15[%swap3A_183] masked %le3A {strides = array<i32>} : memref<512xi32, #tpu.memory_space<vmem>>, vector<16xi32>, vector<16xi1>
            tpu.vector_store %arg15[%swap3A_183], %add3A_182 masked %le3A {strides = array<i32>} : memref<512xi32, #tpu.memory_space<vmem>>, vector<16xi32>, vector<16xi1>
          } else {
          }
          %add3A_175 = arith.addi %scan3A_157, %reduce_sum3A_167 : i32
          %select_n3A_176 = arith.select %and3A_171, %add3A_175, %scan3A_157 : i32
          scf.yield %select_n3A_176 : i32
        }
        %scan3A_155 = arith.constant 1024 : i32
        scf.yield %scan3A_154 : i32
      } else {
        %scan3A_149 = arith.constant 0 : i32
        %scan3A_150 = arith.constant 0 : i32
        %scan3A_151 = arith.constant 1024 : i32
        %scan3A_152 = arith.addi %scan3A_150, %scan3A_151 : i32
        %scan3A_153 = arith.constant 1 : i32
        %scan3A_154 = scf.for %scan3A_156 = %scan3A_150 to %scan3A_152 step %scan3A_153 iter_args(%scan3A_157 = %scan3A_149) -> (i32)  : i32 {
          %mul3A_158 = arith.constant 16 : i32
          %mul3A_159 = arith.muli %scan3A_156, %mul3A_158 : i32
          %get3A_160 = arith.constant 0 : i32
          %get3A_161 = arith.index_cast %get3A_160 : i32 to index
          %get3A_162 = arith.index_cast %mul3A_159 : i32 to index
          %get3A_163 = tpu.vector_load %arg11[%get3A_161, %get3A_162] {strides = array<i32>} : memref<1x16384xf32, #tpu.memory_space<vmem>>, vector<16xf32>,
          %le3A = arith.cmpf ole, %get3A_163, %get3A_70 : vector<16xf32>
          %convert_element_type3A_164 = arith.extui %le3A : vector<16xi1> to vector<16xi32>
          %reduce_sum3A = arith.constant true
          %reduce_sum3A_165 = vector.broadcast %reduce_sum3A : i1 to vector<16xi1>
          %reduce_sum3A_166 = tpu.scan <sum>, %convert_element_type3A_164 masked %reduce_sum3A_165 : vector<16xi32>, vector<16xi1> -> vector<16xi32>
          %reduce_sum3A_167 = vector.extract %reduce_sum3A_166[15] : i32 from vector<16xi32>
          %gt3A = arith.constant 0 : i32
          %gt3A_168 = arith.cmpi sgt, %reduce_sum3A_167, %gt3A : i32
          %le3A_169 = arith.constant 496 : i32
          %le3A_170 = arith.cmpi sle, %scan3A_157, %le3A_169 : i32
          %and3A_171 = arith.andi %gt3A_168, %le3A_170 : i1
          %convert_element_type3A_172 = arith.extui %and3A_171 : i1 to i32
          %cond3A_173 = arith.constant 0 : i32
          %cond3A_174 = arith.cmpi ne, %convert_element_type3A_172, %cond3A_173 : i32
          scf.if %cond3A_174 {
            %swap3A_177 = arith.index_cast %scan3A_157 : i32 to index
            %swap3A_178 = tpu.vector_load %arg14[%swap3A_177] masked %le3A {strides = array<i32>} : memref<512xf32, #tpu.memory_space<vmem>>, vector<16xf32>, vector<16xi1>
            tpu.vector_store %arg14[%swap3A_177], %get3A_163 masked %le3A {strides = array<i32>} : memref<512xf32, #tpu.memory_space<vmem>>, vector<16xf32>, vector<16xi1>
            %mul3A_179 = arith.constant 16 : i32
            %mul3A_180 = arith.muli %scan3A_156, %mul3A_179 : i32
            %add3A_181 = vector.broadcast %mul3A_180 : i32 to vector<16xi32>
            %add3A_182 = arith.addi %iota3A, %add3A_181 : vector<16xi32>
            %swap3A_183 = arith.index_cast %scan3A_157 : i32 to index
            %swap3A_184 = tpu.vector_load %arg15[%swap3A_183] masked %le3A {strides = array<i32>} : memref<512xi32, #tpu.memory_space<vmem>>, vector<16xi32>, vector<16xi1>
            tpu.vector_store %arg15[%swap3A_183], %add3A_182 masked %le3A {strides = array<i32>} : memref<512xi32, #tpu.memory_space<vmem>>, vector<16xi32>, vector<16xi1>
          } else {
          }
          %add3A_175 = arith.addi %scan3A_157, %reduce_sum3A_167 : i32
          %select_n3A_176 = arith.select %and3A_171, %add3A_175, %scan3A_157 : i32
          scf.yield %select_n3A_176 : i32
        }
        %scan3A_155 = arith.constant 1024 : i32
        scf.yield %scan3A_154 : i32
      }
      %add3A_82 = arith.constant 15 : i32
      %add3A_83 = arith.addi %cond3A_81, %add3A_82 : i32
      %div3A_84 = arith.constant 16 : i32
      %div3A_85 = arith.divsi %add3A_83, %div3A_84 : i32
      %broadcast_in_dim3A_86 = arith.constant 0x7F800000 : f32
      %broadcast_in_dim3A_87 = vector.broadcast %broadcast_in_dim3A_86 : f32 to vector<16xf32>
      %scan3A_88 = arith.constant 0 : i32
      %scan3A_89 = arith.constant 32 : i32
      %scan3A_90 = arith.addi %scan3A_88, %scan3A_89 : i32
      %scan3A_91 = arith.constant 1 : i32
      %scan3A_92:2 = scf.for %scan3A_149 = %scan3A_88 to %scan3A_90 step %scan3A_91 iter_args(%scan3A_150 = %broadcast_in_dim3A_19, %scan3A_151 = %broadcast_in_dim3A_19) -> (vector<16xi32>, vector<16xi32>)  : i32 {
        %while3A = arith.constant 0 : i32
        %while3A_152 = arith.subi %div3A_85, %while3A : i32
        %while3A_153 = arith.addi %while3A, %while3A_152 : i32
        %while3A_154 = arith.constant 1 : i32
        %while3A_155 = arith.divsi %while3A_152, %while3A_154 : i32
        %while3A_156 = arith.muli %while3A_155, %while3A_154 : i32
        %while3A_157 = arith.addi %while3A, %while3A_156 : i32
        %while3A_158 = arith.constant 1 : i32
        %while3A_159 = scf.for %while3A_224 = %while3A to %while3A_157 step %while3A_158 iter_args(%while3A_225 = %broadcast_in_dim3A_87) -> (vector<16xf32>)  : i32 {
          %mul3A_226 = arith.constant 16 : i32
          %mul3A_227 = arith.muli %while3A_224, %mul3A_226 : i32
          %get3A_228 = arith.index_cast %mul3A_227 : i32 to index
          %get3A_229 = tpu.vector_load %arg14[%get3A_228] {strides = array<i32>} : memref<512xf32, #tpu.memory_space<vmem>>, vector<16xf32>,
          %min3A = arith.minimumf %while3A_225, %get3A_229 : vector<16xf32>
          scf.yield %min3A : vector<16xf32>
        }
        %while3A_160 = arith.constant 1 : i32
        %while3A_161 = scf.for %while3A_224 = %while3A_157 to %while3A_153 step %while3A_160 iter_args(%while3A_225 = %while3A_159) -> (vector<16xf32>)  : i32 {
          %mul3A_226 = arith.constant 16 : i32
          %mul3A_227 = arith.muli %while3A_224, %mul3A_226 : i32
          %get3A_228 = arith.index_cast %mul3A_227 : i32 to index
          %get3A_229 = tpu.vector_load %arg14[%get3A_228] {strides = array<i32>} : memref<512xf32, #tpu.memory_space<vmem>>, vector<16xf32>,
          %min3A = arith.minimumf %while3A_225, %get3A_229 : vector<16xf32>
          scf.yield %min3A : vector<16xf32>
        }
        %reduce_min3A = arith.constant true
        %reduce_min3A_162 = vector.broadcast %reduce_min3A : i1 to vector<16xi1>
        %reduce_min3A_163 = tpu.scan <min>, %while3A_161 masked %reduce_min3A_162 : vector<16xf32>, vector<16xi1> -> vector<16xf32>
        %reduce_min3A_164 = vector.extract %reduce_min3A_163[15] : f32 from vector<16xf32>
        %while3A_165 = arith.constant 0 : i32
        %while3A_166 = arith.constant false
        %while3A_167 = arith.constant 0 : i32
        %while3A_168 = arith.subi %div3A_85, %while3A_165 : i32
        %while3A_169 = arith.addi %while3A_165, %while3A_168 : i32
        %while3A_170 = arith.constant 1 : i32
        %while3A_171 = arith.divsi %while3A_168, %while3A_170 : i32
        %while3A_172 = arith.muli %while3A_171, %while3A_170 : i32
        %while3A_173 = arith.addi %while3A_165, %while3A_172 : i32
        %while3A_174 = arith.constant 1 : i32
        %while3A_175:2 = scf.for %while3A_224 = %while3A_165 to %while3A_173 step %while3A_174 iter_args(%while3A_225 = %while3A_166, %while3A_226 = %while3A_167) -> (i1, i32)  : i32 {
          %mul3A_227 = arith.constant 16 : i32
          %mul3A_228 = arith.muli %while3A_224, %mul3A_227 : i32
          %get3A_229 = arith.index_cast %mul3A_228 : i32 to index
          %get3A_230 = tpu.vector_load %arg14[%get3A_229] {strides = array<i32>} : memref<512xf32, #tpu.memory_space<vmem>>, vector<16xf32>,
          %eq3A_231 = vector.broadcast %reduce_min3A_164 : f32 to vector<16xf32>
          %eq3A_232 = arith.cmpf oeq, %get3A_230, %eq3A_231 : vector<16xf32>
          %convert_element_type3A_233 = arith.extui %eq3A_232 : vector<16xi1> to vector<16xi32>
          %reduce_max3A = arith.constant true
          %reduce_max3A_234 = vector.broadcast %reduce_max3A : i1 to vector<16xi1>
          %reduce_max3A_235 = arith.constant -2147483648 : i32
          %reduce_max3A_236 = vector.broadcast %reduce_max3A_235 : i32 to vector<16xi32>
          %reduce_max3A_237 = arith.xori %convert_element_type3A_233, %reduce_max3A_236 : vector<16xi32>
          %reduce_max3A_238 = tpu.scan <max>, %reduce_max3A_237 masked %reduce_max3A_234 : vector<16xi32>, vector<16xi1> -> vector<16xi32>
          %reduce_max3A_239 = arith.xori %reduce_max3A_238, %reduce_max3A_236 : vector<16xi32>
          %reduce_max3A_240 = vector.extract %reduce_max3A_239[15] : i32 from vector<16xi32>
          %gt3A = arith.constant 0 : i32
          %gt3A_241 = arith.cmpi sgt, %reduce_max3A_240, %gt3A : i32
          %not3A_242 = arith.constant true
          %not3A_243 = arith.xori %while3A_225, %not3A_242 : i1
          %and3A_244 = arith.andi %not3A_243, %gt3A_241 : i1
          %select_n3A_245 = arith.select %and3A_244, %while3A_224, %while3A_226 : i32
          %or3A = arith.ori %while3A_225, %gt3A_241 : i1
          scf.yield %or3A, %select_n3A_245 : i1, i32
        }
        %while3A_176 = arith.constant 1 : i32
        %while3A_177:2 = scf.for %while3A_224 = %while3A_173 to %while3A_169 step %while3A_176 iter_args(%while3A_225 = %while3A_175#0, %while3A_226 = %while3A_175#1) -> (i1, i32)  : i32 {
          %mul3A_227 = arith.constant 16 : i32
          %mul3A_228 = arith.muli %while3A_224, %mul3A_227 : i32
          %get3A_229 = arith.index_cast %mul3A_228 : i32 to index
          %get3A_230 = tpu.vector_load %arg14[%get3A_229] {strides = array<i32>} : memref<512xf32, #tpu.memory_space<vmem>>, vector<16xf32>,
          %eq3A_231 = vector.broadcast %reduce_min3A_164 : f32 to vector<16xf32>
          %eq3A_232 = arith.cmpf oeq, %get3A_230, %eq3A_231 : vector<16xf32>
          %convert_element_type3A_233 = arith.extui %eq3A_232 : vector<16xi1> to vector<16xi32>
          %reduce_max3A = arith.constant true
          %reduce_max3A_234 = vector.broadcast %reduce_max3A : i1 to vector<16xi1>
          %reduce_max3A_235 = arith.constant -2147483648 : i32
          %reduce_max3A_236 = vector.broadcast %reduce_max3A_235 : i32 to vector<16xi32>
          %reduce_max3A_237 = arith.xori %convert_element_type3A_233, %reduce_max3A_236 : vector<16xi32>
          %reduce_max3A_238 = tpu.scan <max>, %reduce_max3A_237 masked %reduce_max3A_234 : vector<16xi32>, vector<16xi1> -> vector<16xi32>
          %reduce_max3A_239 = arith.xori %reduce_max3A_238, %reduce_max3A_236 : vector<16xi32>
          %reduce_max3A_240 = vector.extract %reduce_max3A_239[15] : i32 from vector<16xi32>
          %gt3A = arith.constant 0 : i32
          %gt3A_241 = arith.cmpi sgt, %reduce_max3A_240, %gt3A : i32
          %not3A_242 = arith.constant true
          %not3A_243 = arith.xori %while3A_225, %not3A_242 : i1
          %and3A_244 = arith.andi %not3A_243, %gt3A_241 : i1
          %select_n3A_245 = arith.select %and3A_244, %while3A_224, %while3A_226 : i32
          %or3A = arith.ori %while3A_225, %gt3A_241 : i1
          scf.yield %or3A, %select_n3A_245 : i1, i32
        }
        %mul3A_178 = arith.constant 16 : i32
        %mul3A_179 = arith.muli %while3A_177#1, %mul3A_178 : i32
        %get3A_180 = arith.index_cast %mul3A_179 : i32 to index
        %get3A_181 = tpu.vector_load %arg14[%get3A_180] {strides = array<i32>} : memref<512xf32, #tpu.memory_space<vmem>>, vector<16xf32>,
        %eq3A_182 = vector.broadcast %reduce_min3A_164 : f32 to vector<16xf32>
        %eq3A_183 = arith.cmpf oeq, %get3A_181, %eq3A_182 : vector<16xf32>
        %jit3A_184 = arith.constant 16 : i32
        %broadcast_in_dim3A_185 = vector.broadcast %jit3A_184 : i32 to vector<16xi32>
        %select_n3A_186 = arith.select %eq3A_183, %iota3A, %broadcast_in_dim3A_185 : vector<16xi1>, vector<16xi32>
        %reduce_min3A_187 = arith.constant true
        %reduce_min3A_188 = vector.broadcast %reduce_min3A_187 : i1 to vector<16xi1>
        %reduce_min3A_189 = arith.constant -2147483648 : i32
        %reduce_min3A_190 = vector.broadcast %reduce_min3A_189 : i32 to vector<16xi32>
        %reduce_min3A_191 = arith.xori %select_n3A_186, %reduce_min3A_190 : vector<16xi32>
        %reduce_min3A_192 = tpu.scan <min>, %reduce_min3A_191 masked %reduce_min3A_188 : vector<16xi32>, vector<16xi1> -> vector<16xi32>
        %reduce_min3A_193 = arith.xori %reduce_min3A_192, %reduce_min3A_190 : vector<16xi32>
        %reduce_min3A_194 = vector.extract %reduce_min3A_193[15] : i32 from vector<16xi32>
        %eq3A_195 = vector.broadcast %reduce_min3A_194 : i32 to vector<16xi32>
        %eq3A_196 = arith.cmpi eq, %iota3A, %eq3A_195 : vector<16xi32>
        %mul3A_197 = arith.constant 16 : i32
        %mul3A_198 = arith.muli %while3A_177#1, %mul3A_197 : i32
        %get3A_199 = arith.index_cast %mul3A_198 : i32 to index
        %get3A_200 = tpu.vector_load %arg15[%get3A_199] {strides = array<i32>} : memref<512xi32, #tpu.memory_space<vmem>>, vector<16xi32>,
        %jit3A_201 = arith.constant 0 : i32
        %broadcast_in_dim3A_202 = vector.broadcast %jit3A_201 : i32 to vector<16xi32>
        %select_n3A_203 = arith.select %eq3A_196, %get3A_200, %broadcast_in_dim3A_202 : vector<16xi1>, vector<16xi32>
        %reduce_sum3A = arith.constant true
        %reduce_sum3A_204 = vector.broadcast %reduce_sum3A : i1 to vector<16xi1>
        %reduce_sum3A_205 = tpu.scan <sum>, %select_n3A_203 masked %reduce_sum3A_204 : vector<16xi32>, vector<16xi1> -> vector<16xi32>
        %reduce_sum3A_206 = vector.extract %reduce_sum3A_205[15] : i32 from vector<16xi32>
        %jit3A_207 = arith.constant 0x7F800000 : f32
        %broadcast_in_dim3A_208 = vector.broadcast %jit3A_207 : f32 to vector<16xf32>
        %select_n3A_209 = arith.select %eq3A_196, %broadcast_in_dim3A_208, %get3A_181 : vector<16xi1>, vector<16xf32>
        %mul3A_210 = arith.constant 16 : i32
        %mul3A_211 = arith.muli %while3A_177#1, %mul3A_210 : i32
        %swap3A_212 = arith.index_cast %mul3A_211 : i32 to index
        %swap3A_213 = tpu.vector_load %arg14[%swap3A_212] {strides = array<i32>} : memref<512xf32, #tpu.memory_space<vmem>>, vector<16xf32>,
        tpu.vector_store %arg14[%swap3A_212], %select_n3A_209 {strides = array<i32>} : memref<512xf32, #tpu.memory_space<vmem>>, vector<16xf32>,
        %eq3A_214 = vector.broadcast %scan3A_149 : i32 to vector<16xi32>
        %eq3A_215 = arith.cmpi eq, %iota3A, %eq3A_214 : vector<16xi32>
        %broadcast_in_dim3A_216 = vector.broadcast %reduce_sum3A_206 : i32 to vector<16xi32>
        %select_n3A_217 = arith.select %eq3A_215, %broadcast_in_dim3A_216, %scan3A_150 : vector<16xi1>, vector<16xi32>
        %sub3A_218 = arith.constant 16 : i32
        %sub3A_219 = arith.subi %scan3A_149, %sub3A_218 : i32
        %eq3A_220 = vector.broadcast %sub3A_219 : i32 to vector<16xi32>
        %eq3A_221 = arith.cmpi eq, %iota3A, %eq3A_220 : vector<16xi32>
        %broadcast_in_dim3A_222 = vector.broadcast %reduce_sum3A_206 : i32 to vector<16xi32>
        %select_n3A_223 = arith.select %eq3A_221, %broadcast_in_dim3A_222, %scan3A_151 : vector<16xi1>, vector<16xi32>
        scf.yield %select_n3A_217, %select_n3A_223 : vector<16xi32>, vector<16xi32>
      }
      %scan3A_93 = arith.constant 32 : i32
      %get3A_94 = arith.index_cast %scan3A_41 : i32 to index
      %get3A_95 = arith.constant 0 : index
      %get3A_96 = tpu.vector_load %arg13[%get3A_94, %get3A_95] {strides = array<i32>} : memref<64x48xf32, #tpu.memory_space<vmem>>, vector<16xf32>,
      %get3A_97 = arith.index_cast %scan3A_41 : i32 to index
      %get3A_98 = arith.constant 16 : index
      %get3A_99 = tpu.vector_load %arg13[%get3A_97, %get3A_98] {strides = array<i32>} : memref<64x48xf32, #tpu.memory_space<vmem>>, vector<16xf32>,
      %get3A_100 = arith.index_cast %scan3A_41 : i32 to index
      %get3A_101 = arith.constant 32 : index
      %get3A_102 = tpu.vector_load %arg13[%get3A_100, %get3A_101] {strides = array<i32>} : memref<64x48xf32, #tpu.memory_space<vmem>>, vector<16xf32>,
      %mul3A_103 = arith.constant 96 : i32
      %mul3A_104 = arith.muli %scan3A_41, %mul3A_103 : i32
      %shift_right_logical3A = arith.constant 7 : i32
      %shift_right_logical3A_105 = vector.broadcast %shift_right_logical3A : i32 to vector<16xi32>
      %shift_right_logical3A_106 = arith.shrui %scan3A_92#0, %shift_right_logical3A_105 : vector<16xi32>
      %and3A_107 = arith.constant 127 : i32
      %and3A_108 = vector.broadcast %and3A_107 : i32 to vector<16xi32>
      %and3A_109 = arith.andi %scan3A_92#0, %and3A_108 : vector<16xi32>
      %shift_right_logical3A_110 = arith.constant 7 : i32
      %shift_right_logical3A_111 = vector.broadcast %shift_right_logical3A_110 : i32 to vector<16xi32>
      %shift_right_logical3A_112 = arith.shrui %scan3A_92#1, %shift_right_logical3A_111 : vector<16xi32>
      %and3A_113 = arith.constant 127 : i32
      %and3A_114 = vector.broadcast %and3A_113 : i32 to vector<16xi32>
      %and3A_115 = arith.andi %scan3A_92#1, %and3A_114 : vector<16xi32>
      %gather3A = tpu.vector_load_idx %arg7[%shift_right_logical3A_106, %and3A_109] : memref<128x128xf32, #tpu.memory_space<vmem>>[vector<16xi32>, vector<16xi32>], vector<16xf32>,
      %sub3A_116 = arith.subf %gather3A, %get3A_96 : vector<16xf32>
      %swap3A = arith.index_cast %mul3A_104 : i32 to index
      %swap3A_117 = tpu.vector_load %arg16[%swap3A] {strides = array<i32>} : memref<6144xf32, #tpu.memory_space<vmem>>, vector<16xf32>,
      tpu.vector_store %arg16[%swap3A], %sub3A_116 {strides = array<i32>} : memref<6144xf32, #tpu.memory_space<vmem>>, vector<16xf32>,
      %gather3A_118 = tpu.vector_load_idx %arg7[%shift_right_logical3A_112, %and3A_115] : memref<128x128xf32, #tpu.memory_space<vmem>>[vector<16xi32>, vector<16xi32>], vector<16xf32>,
      %sub3A_119 = arith.subf %gather3A_118, %get3A_96 : vector<16xf32>
      %add3A_120 = arith.constant 16 : i32
      %add3A_121 = arith.addi %mul3A_104, %add3A_120 : i32
      %swap3A_122 = arith.index_cast %add3A_121 : i32 to index
      %swap3A_123 = tpu.vector_load %arg16[%swap3A_122] {strides = array<i32>} : memref<6144xf32, #tpu.memory_space<vmem>>, vector<16xf32>,
      tpu.vector_store %arg16[%swap3A_122], %sub3A_119 {strides = array<i32>} : memref<6144xf32, #tpu.memory_space<vmem>>, vector<16xf32>,
      %gather3A_124 = tpu.vector_load_idx %arg8[%shift_right_logical3A_106, %and3A_109] : memref<128x128xf32, #tpu.memory_space<vmem>>[vector<16xi32>, vector<16xi32>], vector<16xf32>,
      %sub3A_125 = arith.subf %gather3A_124, %get3A_99 : vector<16xf32>
      %add3A_126 = arith.constant 32 : i32
      %add3A_127 = arith.addi %mul3A_104, %add3A_126 : i32
      %swap3A_128 = arith.index_cast %add3A_127 : i32 to index
      %swap3A_129 = tpu.vector_load %arg16[%swap3A_128] {strides = array<i32>} : memref<6144xf32, #tpu.memory_space<vmem>>, vector<16xf32>,
      tpu.vector_store %arg16[%swap3A_128], %sub3A_125 {strides = array<i32>} : memref<6144xf32, #tpu.memory_space<vmem>>, vector<16xf32>,
      %gather3A_130 = tpu.vector_load_idx %arg8[%shift_right_logical3A_112, %and3A_115] : memref<128x128xf32, #tpu.memory_space<vmem>>[vector<16xi32>, vector<16xi32>], vector<16xf32>,
      %sub3A_131 = arith.subf %gather3A_130, %get3A_99 : vector<16xf32>
      %add3A_132 = arith.constant 48 : i32
      %add3A_133 = arith.addi %mul3A_104, %add3A_132 : i32
      %swap3A_134 = arith.index_cast %add3A_133 : i32 to index
      %swap3A_135 = tpu.vector_load %arg16[%swap3A_134] {strides = array<i32>} : memref<6144xf32, #tpu.memory_space<vmem>>, vector<16xf32>,
      tpu.vector_store %arg16[%swap3A_134], %sub3A_131 {strides = array<i32>} : memref<6144xf32, #tpu.memory_space<vmem>>, vector<16xf32>,
      %gather3A_136 = tpu.vector_load_idx %arg9[%shift_right_logical3A_106, %and3A_109] : memref<128x128xf32, #tpu.memory_space<vmem>>[vector<16xi32>, vector<16xi32>], vector<16xf32>,
      %sub3A_137 = arith.subf %gather3A_136, %get3A_102 : vector<16xf32>
      %add3A_138 = arith.constant 64 : i32
      %add3A_139 = arith.addi %mul3A_104, %add3A_138 : i32
      %swap3A_140 = arith.index_cast %add3A_139 : i32 to index
      %swap3A_141 = tpu.vector_load %arg16[%swap3A_140] {strides = array<i32>} : memref<6144xf32, #tpu.memory_space<vmem>>, vector<16xf32>,
      tpu.vector_store %arg16[%swap3A_140], %sub3A_137 {strides = array<i32>} : memref<6144xf32, #tpu.memory_space<vmem>>, vector<16xf32>,
      %gather3A_142 = tpu.vector_load_idx %arg9[%shift_right_logical3A_112, %and3A_115] : memref<128x128xf32, #tpu.memory_space<vmem>>[vector<16xi32>, vector<16xi32>], vector<16xf32>,
      %sub3A_143 = arith.subf %gather3A_142, %get3A_102 : vector<16xf32>
      %add3A_144 = arith.constant 80 : i32
      %add3A_145 = arith.addi %mul3A_104, %add3A_144 : i32
      %swap3A_146 = arith.index_cast %add3A_145 : i32 to index
      %swap3A_147 = tpu.vector_load %arg16[%swap3A_146] {strides = array<i32>} : memref<6144xf32, #tpu.memory_space<vmem>>, vector<16xf32>,
      tpu.vector_store %arg16[%swap3A_146], %sub3A_143 {strides = array<i32>} : memref<6144xf32, #tpu.memory_space<vmem>>, vector<16xf32>,
      %scan3A_148 = arith.constant 0 : i32
      scf.yield %scan3A_148 : i32
    }
    %scan3A_38 = arith.constant 64 : i32
    %mul3A_39 = arith.constant 96 : i32
    %mul3A_40 = arith.muli %mul3A_18, %mul3A_39 : i32
    "tpu.region"() ({
      %run_scoped3A = tpu.sem_alloc : memref<!tpu.dma_semaphore, #tpu.memory_space<semaphore_mem>>
      %dma_start3A_41 = tpu.memref_slice %arg6[%mul3A_40] : memref<196608xf32, #tpu.memory_space<hbm>> -> memref<6144xf32, #tpu.memory_space<hbm>>
      %dma_start3A_42 = tpu.memref_slice %arg6[%mul3A_40] : memref<196608xf32, #tpu.memory_space<hbm>> -> memref<6144xf32, #tpu.memory_space<hbm>>
      tpu.enqueue_dma source(%arg16 : memref<6144xf32, #tpu.memory_space<vmem>>) target(%dma_start3A_42 : memref<6144xf32, #tpu.memory_space<hbm>>) target_semaphore(%run_scoped3A : memref<!tpu.dma_semaphore, #tpu.memory_space<semaphore_mem>>)
      %dma_wait3A = tpu.memref_slice %arg6[%mul3A_40] : memref<196608xf32, #tpu.memory_space<hbm>> -> memref<6144xf32, #tpu.memory_space<hbm>>
      %dma_wait3A_43 = tpu.memref_slice %arg6[%mul3A_40] : memref<196608xf32, #tpu.memory_space<hbm>> -> memref<6144xf32, #tpu.memory_space<hbm>>
      tpu.wait_dma2 semaphore(%run_scoped3A : memref<!tpu.dma_semaphore, #tpu.memory_space<semaphore_mem>>) src(%arg16 : memref<6144xf32, #tpu.memory_space<vmem>>) dst(%dma_wait3A_43 : memref<6144xf32, #tpu.memory_space<hbm>>)
      tpu.yield
    }) : () -> ()
    return
  }
}

module attributes {stable_mosaic.version = 14 : i64} {
  func.func @_sort_kernel(%arg0: i32, %arg1: memref<8x1x256xf32, #tpu.memory_space<vmem>>, %arg2: memref<8x1x256xf32, #tpu.memory_space<vmem>>, %arg3: memref<8x1x256xf32, #tpu.memory_space<vmem>>, %arg4: memref<1x1x256xf32, #tpu.memory_space<vmem>>, %arg5: memref<1x1x256xf32, #tpu.memory_space<vmem>>, %arg6: memref<1x1x256xf32, #tpu.memory_space<vmem>>) attributes {dimension_semantics = [#tpu.dimension_semantics<arbitrary>], iteration_bounds = array<i64: 8>, scalar_prefetch = 0 : i64, scratch_operands = 0 : i64, tpu.core_type = #tpu.core_type<tc>, window_params = [{pipeline_mode = #tpu.pipeline_mode<synchronous>, transform_indices = @transform_0, window_bounds = array<i64: 8, 1, 256>}, {pipeline_mode = #tpu.pipeline_mode<synchronous>, transform_indices = @transform_1, window_bounds = array<i64: 8, 1, 256>}, {pipeline_mode = #tpu.pipeline_mode<synchronous>, transform_indices = @transform_2, window_bounds = array<i64: 8, 1, 256>}, {transform_indices = @transform_3, window_bounds = array<i64: 1, 1, 256>}, {transform_indices = @transform_4, window_bounds = array<i64: 1, 1, 256>}, {transform_indices = @transform_5, window_bounds = array<i64: 1, 1, 256>}]} {
    %get3A = arith.constant 0 : index
    %get3A_0 = arith.constant 0 : index
    %get3A_1 = arith.constant 0 : index
    %get3A_2 = vector.load %arg1[%get3A, %get3A_0, %get3A_1] : memref<8x1x256xf32, #tpu.memory_space<vmem>>, vector<8x1x256xf32>
    %reduce_min3A = vector.shape_cast %get3A_2 : vector<8x1x256xf32> to vector<1x8x1x256xf32>
    %reduce_min3A_3 = arith.constant dense<0x7F800000> : vector<1xf32>
    %reduce_min3A_4 = vector.multi_reduction <minimumf>, %reduce_min3A, %reduce_min3A_3 [1, 2, 3] : vector<1x8x1x256xf32> to vector<1xf32>
    %reduce_min3A_5 = vector.shape_cast %reduce_min3A_4 : vector<1xf32> to vector<1x1x1x1xf32>
    %reduce_min3A_6 = vector.extract %reduce_min3A_5[0, 0, 0, 0] : f32 from vector<1x1x1x1xf32>
    %get3A_7 = arith.constant 0 : index
    %get3A_8 = arith.constant 0 : index
    %get3A_9 = arith.constant 0 : index
    %get3A_10 = vector.load %arg2[%get3A_7, %get3A_8, %get3A_9] : memref<8x1x256xf32, #tpu.memory_space<vmem>>, vector<8x1x256xf32>
    %reduce_min3A_11 = vector.shape_cast %get3A_10 : vector<8x1x256xf32> to vector<1x8x1x256xf32>
    %reduce_min3A_12 = arith.constant dense<0x7F800000> : vector<1xf32>
    %reduce_min3A_13 = vector.multi_reduction <minimumf>, %reduce_min3A_11, %reduce_min3A_12 [1, 2, 3] : vector<1x8x1x256xf32> to vector<1xf32>
    %reduce_min3A_14 = vector.shape_cast %reduce_min3A_13 : vector<1xf32> to vector<1x1x1x1xf32>
    %reduce_min3A_15 = vector.extract %reduce_min3A_14[0, 0, 0, 0] : f32 from vector<1x1x1x1xf32>
    %get3A_16 = arith.constant 0 : index
    %get3A_17 = arith.constant 0 : index
    %get3A_18 = arith.constant 0 : index
    %get3A_19 = vector.load %arg3[%get3A_16, %get3A_17, %get3A_18] : memref<8x1x256xf32, #tpu.memory_space<vmem>>, vector<8x1x256xf32>
    %reduce_min3A_20 = vector.shape_cast %get3A_19 : vector<8x1x256xf32> to vector<1x8x1x256xf32>
    %reduce_min3A_21 = arith.constant dense<0x7F800000> : vector<1xf32>
    %reduce_min3A_22 = vector.multi_reduction <minimumf>, %reduce_min3A_20, %reduce_min3A_21 [1, 2, 3] : vector<1x8x1x256xf32> to vector<1xf32>
    %reduce_min3A_23 = vector.shape_cast %reduce_min3A_22 : vector<1xf32> to vector<1x1x1x1xf32>
    %reduce_min3A_24 = vector.extract %reduce_min3A_23[0, 0, 0, 0] : f32 from vector<1x1x1x1xf32>
    %get3A_25 = arith.index_cast %arg0 : i32 to index
    %get3A_26 = arith.constant 0 : index
    %get3A_27 = arith.constant 0 : index
    %get3A_28 = vector.load %arg1[%get3A_25, %get3A_26, %get3A_27] : memref<8x1x256xf32, #tpu.memory_space<vmem>>, vector<1x1x256xf32>
    %get3A_29 = vector.shape_cast %get3A_28 : vector<1x1x256xf32> to vector<1x256xf32>
    %get3A_30 = arith.index_cast %arg0 : i32 to index
    %get3A_31 = arith.constant 0 : index
    %get3A_32 = arith.constant 0 : index
    %get3A_33 = vector.load %arg2[%get3A_30, %get3A_31, %get3A_32] : memref<8x1x256xf32, #tpu.memory_space<vmem>>, vector<1x1x256xf32>
    %get3A_34 = vector.shape_cast %get3A_33 : vector<1x1x256xf32> to vector<1x256xf32>
    %get3A_35 = arith.index_cast %arg0 : i32 to index
    %get3A_36 = arith.constant 0 : index
    %get3A_37 = arith.constant 0 : index
    %get3A_38 = vector.load %arg3[%get3A_35, %get3A_36, %get3A_37] : memref<8x1x256xf32, #tpu.memory_space<vmem>>, vector<1x1x256xf32>
    %get3A_39 = vector.shape_cast %get3A_38 : vector<1x1x256xf32> to vector<1x256xf32>
    %sub3A = vector.broadcast %reduce_min3A_6 : f32 to vector<1x256xf32>
    %sub3A_40 = arith.subf %get3A_29, %sub3A : vector<1x256xf32>
    %sub3A_41 = vector.broadcast %reduce_min3A_15 : f32 to vector<1x256xf32>
    %sub3A_42 = arith.subf %get3A_34, %sub3A_41 : vector<1x256xf32>
    %sub3A_43 = vector.broadcast %reduce_min3A_24 : f32 to vector<1x256xf32>
    %sub3A_44 = arith.subf %get3A_39, %sub3A_43 : vector<1x256xf32>
    %mul3A = arith.mulf %sub3A_40, %sub3A_40 : vector<1x256xf32>
    %mul3A_45 = arith.mulf %sub3A_42, %sub3A_42 : vector<1x256xf32>
    %add3A = arith.addf %mul3A, %mul3A_45 : vector<1x256xf32>
    %mul3A_46 = arith.mulf %sub3A_44, %sub3A_44 : vector<1x256xf32>
    %add3A_47 = arith.addf %add3A, %mul3A_46 : vector<1x256xf32>
    %reshape3A = vector.shape_cast %add3A_47 : vector<1x256xf32> to vector<256x1xf32>
    %iota3A = tpu.iota {dimensions = array<i32: 1>} : vector<256x256xi32>
    %iota3A_48 = tpu.iota {dimensions = array<i32: 0>} : vector<256x256xi32>
    %lt3A = arith.cmpi slt, %iota3A, %iota3A_48 : vector<256x256xi32>
    %lt3A_49 = vector.broadcast %add3A_47 : vector<1x256xf32> to vector<256x256xf32>
    %lt3A_50 = vector.broadcast %reshape3A : vector<256x1xf32> to vector<256x256xf32>
    %lt3A_51 = arith.cmpf olt, %lt3A_49, %lt3A_50 : vector<256x256xf32>
    %convert_element_type3A = arith.extui %lt3A_51 : vector<256x256xi1> to vector<256x256xi32>
    %reduce_sum3A = arith.constant dense<0> : vector<256xi32>
    %reduce_sum3A_52 = vector.multi_reduction <add>, %convert_element_type3A, %reduce_sum3A [1] : vector<256x256xi32> to vector<256xi32>
    %eq3A = vector.broadcast %add3A_47 : vector<1x256xf32> to vector<256x256xf32>
    %eq3A_53 = vector.broadcast %reshape3A : vector<256x1xf32> to vector<256x256xf32>
    %eq3A_54 = arith.cmpf oeq, %eq3A, %eq3A_53 : vector<256x256xf32>
    %and3A = arith.andi %eq3A_54, %lt3A : vector<256x256xi1>
    %convert_element_type3A_55 = arith.extui %and3A : vector<256x256xi1> to vector<256x256xi32>
    %reduce_sum3A_56 = arith.constant dense<0> : vector<256xi32>
    %reduce_sum3A_57 = vector.multi_reduction <add>, %convert_element_type3A_55, %reduce_sum3A_56 [1] : vector<256x256xi32> to vector<256xi32>
    %add3A_58 = arith.addi %reduce_sum3A_52, %reduce_sum3A_57 : vector<256xi32>
    %reshape3A_59 = vector.shape_cast %add3A_58 : vector<256xi32> to vector<256x1xi32>
    %iota3A_60 = tpu.iota {dimensions = array<i32: 1>} : vector<256x256xi32>
    %eq3A_61 = vector.broadcast %reshape3A_59 : vector<256x1xi32> to vector<256x256xi32>
    %eq3A_62 = arith.cmpi eq, %eq3A_61, %iota3A_60 : vector<256x256xi32>
    %reshape3A_63 = vector.shape_cast %get3A_29 : vector<1x256xf32> to vector<256x1xf32>
    %jit3A = arith.constant 0.000000e+00 : f32
    %broadcast_in_dim3A = vector.shape_cast %reshape3A_63 : vector<256x1xf32> to vector<256x1xf32>
    %broadcast_in_dim3A_64 = vector.broadcast %broadcast_in_dim3A : vector<256x1xf32> to vector<256x256xf32>
    %broadcast_in_dim3A_65 = vector.broadcast %jit3A : f32 to vector<256x256xf32>
    %select_n3A = arith.select %eq3A_62, %broadcast_in_dim3A_64, %broadcast_in_dim3A_65 : vector<256x256xi1>, vector<256x256xf32>
    %reduce_sum3A_66 = arith.constant dense<0.000000e+00> : vector<256xf32>
    %reduce_sum3A_67 = vector.multi_reduction <add>, %select_n3A, %reduce_sum3A_66 [0] : vector<256x256xf32> to vector<256xf32>
    %swap3A = arith.constant 0 : index
    %swap3A_68 = arith.constant 0 : index
    %swap3A_69 = arith.constant 0 : index
    %swap3A_70 = vector.load %arg4[%swap3A, %swap3A_68, %swap3A_69] : memref<1x1x256xf32, #tpu.memory_space<vmem>>, vector<1x1x256xf32>
    %swap3A_71 = vector.shape_cast %swap3A_70 : vector<1x1x256xf32> to vector<256xf32>
    %swap3A_72 = vector.shape_cast %reduce_sum3A_67 : vector<256xf32> to vector<1x1x256xf32>
    tpu.vector_store %arg4[%swap3A, %swap3A_68, %swap3A_69], %swap3A_72 {strides = array<i32>} : memref<1x1x256xf32, #tpu.memory_space<vmem>>, vector<1x1x256xf32>,
    %reshape3A_73 = vector.shape_cast %get3A_34 : vector<1x256xf32> to vector<256x1xf32>
    %jit3A_74 = arith.constant 0.000000e+00 : f32
    %broadcast_in_dim3A_75 = vector.shape_cast %reshape3A_73 : vector<256x1xf32> to vector<256x1xf32>
    %broadcast_in_dim3A_76 = vector.broadcast %broadcast_in_dim3A_75 : vector<256x1xf32> to vector<256x256xf32>
    %broadcast_in_dim3A_77 = vector.broadcast %jit3A_74 : f32 to vector<256x256xf32>
    %select_n3A_78 = arith.select %eq3A_62, %broadcast_in_dim3A_76, %broadcast_in_dim3A_77 : vector<256x256xi1>, vector<256x256xf32>
    %reduce_sum3A_79 = arith.constant dense<0.000000e+00> : vector<256xf32>
    %reduce_sum3A_80 = vector.multi_reduction <add>, %select_n3A_78, %reduce_sum3A_79 [0] : vector<256x256xf32> to vector<256xf32>
    %swap3A_81 = arith.constant 0 : index
    %swap3A_82 = arith.constant 0 : index
    %swap3A_83 = arith.constant 0 : index
    %swap3A_84 = vector.load %arg5[%swap3A_81, %swap3A_82, %swap3A_83] : memref<1x1x256xf32, #tpu.memory_space<vmem>>, vector<1x1x256xf32>
    %swap3A_85 = vector.shape_cast %swap3A_84 : vector<1x1x256xf32> to vector<256xf32>
    %swap3A_86 = vector.shape_cast %reduce_sum3A_80 : vector<256xf32> to vector<1x1x256xf32>
    tpu.vector_store %arg5[%swap3A_81, %swap3A_82, %swap3A_83], %swap3A_86 {strides = array<i32>} : memref<1x1x256xf32, #tpu.memory_space<vmem>>, vector<1x1x256xf32>,
    %reshape3A_87 = vector.shape_cast %get3A_39 : vector<1x256xf32> to vector<256x1xf32>
    %jit3A_88 = arith.constant 0.000000e+00 : f32
    %broadcast_in_dim3A_89 = vector.shape_cast %reshape3A_87 : vector<256x1xf32> to vector<256x1xf32>
    %broadcast_in_dim3A_90 = vector.broadcast %broadcast_in_dim3A_89 : vector<256x1xf32> to vector<256x256xf32>
    %broadcast_in_dim3A_91 = vector.broadcast %jit3A_88 : f32 to vector<256x256xf32>
    %select_n3A_92 = arith.select %eq3A_62, %broadcast_in_dim3A_90, %broadcast_in_dim3A_91 : vector<256x256xi1>, vector<256x256xf32>
    %reduce_sum3A_93 = arith.constant dense<0.000000e+00> : vector<256xf32>
    %reduce_sum3A_94 = vector.multi_reduction <add>, %select_n3A_92, %reduce_sum3A_93 [0] : vector<256x256xf32> to vector<256xf32>
    %swap3A_95 = arith.constant 0 : index
    %swap3A_96 = arith.constant 0 : index
    %swap3A_97 = arith.constant 0 : index
    %swap3A_98 = vector.load %arg6[%swap3A_95, %swap3A_96, %swap3A_97] : memref<1x1x256xf32, #tpu.memory_space<vmem>>, vector<1x1x256xf32>
    %swap3A_99 = vector.shape_cast %swap3A_98 : vector<1x1x256xf32> to vector<256xf32>
    %swap3A_100 = vector.shape_cast %reduce_sum3A_94 : vector<256xf32> to vector<1x1x256xf32>
    tpu.vector_store %arg6[%swap3A_95, %swap3A_96, %swap3A_97], %swap3A_100 {strides = array<i32>} : memref<1x1x256xf32, #tpu.memory_space<vmem>>, vector<1x1x256xf32>,
    return
  }
  func.func @transform_0(%arg0: i32) -> (i32, i32, i32) {
    %c0_i32 = arith.constant 0 : i32
    %c0_i32_0 = arith.constant 0 : i32
    %c0_i32_1 = arith.constant 0 : i32
    %c0_i32_2 = arith.constant 0 : i32
    return %c0_i32, %c0_i32_0, %c0_i32_1 : i32, i32, i32
  }
  func.func @transform_1(%arg0: i32) -> (i32, i32, i32) {
    %c0_i32 = arith.constant 0 : i32
    %c0_i32_0 = arith.constant 0 : i32
    %c0_i32_1 = arith.constant 0 : i32
    %c0_i32_2 = arith.constant 0 : i32
    return %c0_i32, %c0_i32_0, %c0_i32_1 : i32, i32, i32
  }
  func.func @transform_2(%arg0: i32) -> (i32, i32, i32) {
    %c0_i32 = arith.constant 0 : i32
    %c0_i32_0 = arith.constant 0 : i32
    %c0_i32_1 = arith.constant 0 : i32
    %c0_i32_2 = arith.constant 0 : i32
    return %c0_i32, %c0_i32_0, %c0_i32_1 : i32, i32, i32
  }
  func.func @transform_3(%arg0: i32) -> (i32, i32, i32) {
    %c0_i32 = arith.constant 0 : i32
    %c0_i32_0 = arith.constant 0 : i32
    %c0_i32_1 = arith.constant 0 : i32
    return %arg0, %c0_i32, %c0_i32_0 : i32, i32, i32
  }
  func.func @transform_4(%arg0: i32) -> (i32, i32, i32) {
    %c0_i32 = arith.constant 0 : i32
    %c0_i32_0 = arith.constant 0 : i32
    %c0_i32_1 = arith.constant 0 : i32
    return %arg0, %c0_i32, %c0_i32_0 : i32, i32, i32
  }
  func.func @transform_5(%arg0: i32) -> (i32, i32, i32) {
    %c0_i32 = arith.constant 0 : i32
    %c0_i32_0 = arith.constant 0 : i32
    %c0_i32_1 = arith.constant 0 : i32
    return %arg0, %c0_i32, %c0_i32_0 : i32, i32, i32
  }
}

module attributes {stable_mosaic.version = 14 : i64} {
  func.func @_fps_sort_kernel(%arg0: memref<1024x128xf32, #tpu.memory_space<vmem>>, %arg1: memref<1024x128xf32, #tpu.memory_space<vmem>>, %arg2: memref<1024x128xf32, #tpu.memory_space<vmem>>, %arg3: memref<8x256xf32, #tpu.memory_space<vmem>>, %arg4: memref<8x256xf32, #tpu.memory_space<vmem>>, %arg5: memref<8x256xf32, #tpu.memory_space<vmem>>) attributes {dimension_semantics = [], scalar_prefetch = 0 : i64, scratch_operands = 0 : i64, tpu.core_type = #tpu.core_type<tc>} {
    %get3A = arith.constant 0 : index
    %get3A_0 = arith.constant 0 : index
    %get3A_1 = vector.load %arg0[%get3A, %get3A_0] : memref<1024x128xf32, #tpu.memory_space<vmem>>, vector<1024x128xf32>
    %reshape3A = vector.shape_cast %get3A_1 : vector<1024x128xf32> to vector<8x128x128xf32>
    %get3A_2 = arith.constant 0 : index
    %get3A_3 = arith.constant 0 : index
    %get3A_4 = vector.load %arg1[%get3A_2, %get3A_3] : memref<1024x128xf32, #tpu.memory_space<vmem>>, vector<1024x128xf32>
    %reshape3A_5 = vector.shape_cast %get3A_4 : vector<1024x128xf32> to vector<8x128x128xf32>
    %get3A_6 = arith.constant 0 : index
    %get3A_7 = arith.constant 0 : index
    %get3A_8 = vector.load %arg2[%get3A_6, %get3A_7] : memref<1024x128xf32, #tpu.memory_space<vmem>>, vector<1024x128xf32>
    %reshape3A_9 = vector.shape_cast %get3A_8 : vector<1024x128xf32> to vector<8x128x128xf32>
    %iota3A = tpu.iota {dimensions = array<i32: 1>} : vector<8x128x128xi32>
    %mul3A = arith.constant 128 : i32
    %mul3A_10 = vector.broadcast %mul3A : i32 to vector<8x128x128xi32>
    %mul3A_11 = arith.muli %iota3A, %mul3A_10 : vector<8x128x128xi32>
    %iota3A_12 = tpu.iota {dimensions = array<i32: 2>} : vector<8x128x128xi32>
    %add3A = arith.addi %mul3A_11, %iota3A_12 : vector<8x128x128xi32>
    %iota3A_13 = tpu.iota {dimensions = array<i32: 1>} : vector<8x256xi32>
    %broadcast_in_dim3A = arith.constant 1.000000e+10 : f32
    %broadcast_in_dim3A_14 = vector.broadcast %broadcast_in_dim3A : f32 to vector<8x128x128xf32>
    %broadcast_in_dim3A_15 = arith.constant 0 : i32
    %broadcast_in_dim3A_16 = vector.broadcast %broadcast_in_dim3A_15 : i32 to vector<8x1x1xi32>
    %broadcast_in_dim3A_17 = arith.constant 0.000000e+00 : f32
    %broadcast_in_dim3A_18 = vector.broadcast %broadcast_in_dim3A_17 : f32 to vector<8x256xf32>
    %scan3A = arith.constant 0 : i32
    %scan3A_19 = arith.constant 256 : i32
    %scan3A_20 = arith.addi %scan3A, %scan3A_19 : i32
    %scan3A_21 = arith.constant 1 : i32
    %scan3A_22:5 = scf.for %scan3A_32 = %scan3A to %scan3A_20 step %scan3A_21 iter_args(%scan3A_33 = %broadcast_in_dim3A_14, %scan3A_34 = %broadcast_in_dim3A_16, %scan3A_35 = %broadcast_in_dim3A_18, %scan3A_36 = %broadcast_in_dim3A_18, %scan3A_37 = %broadcast_in_dim3A_18) -> (vector<8x128x128xf32>, vector<8x1x1xi32>, vector<8x256xf32>, vector<8x256xf32>, vector<8x256xf32>)  : i32 {
      %eq3A = vector.broadcast %scan3A_34 : vector<8x1x1xi32> to vector<8x128x128xi32>
      %eq3A_38 = arith.cmpi eq, %add3A, %eq3A : vector<8x128x128xi32>
      %jit3A = arith.constant 0.000000e+00 : f32
      %broadcast_in_dim3A_39 = vector.broadcast %jit3A : f32 to vector<8x128x128xf32>
      %select_n3A = arith.select %eq3A_38, %reshape3A, %broadcast_in_dim3A_39 : vector<8x128x128xi1>, vector<8x128x128xf32>
      %reduce_sum3A = arith.constant dense<0.000000e+00> : vector<8xf32>
      %reduce_sum3A_40 = vector.multi_reduction <add>, %select_n3A, %reduce_sum3A [1, 2] : vector<8x128x128xf32> to vector<8xf32>
      %broadcast_in_dim3A_41 = vector.shape_cast %reduce_sum3A_40 : vector<8xf32> to vector<8x1x1xf32>
      %jit3A_42 = arith.constant 0.000000e+00 : f32
      %broadcast_in_dim3A_43 = vector.broadcast %jit3A_42 : f32 to vector<8x128x128xf32>
      %select_n3A_44 = arith.select %eq3A_38, %reshape3A_5, %broadcast_in_dim3A_43 : vector<8x128x128xi1>, vector<8x128x128xf32>
      %reduce_sum3A_45 = arith.constant dense<0.000000e+00> : vector<8xf32>
      %reduce_sum3A_46 = vector.multi_reduction <add>, %select_n3A_44, %reduce_sum3A_45 [1, 2] : vector<8x128x128xf32> to vector<8xf32>
      %broadcast_in_dim3A_47 = vector.shape_cast %reduce_sum3A_46 : vector<8xf32> to vector<8x1x1xf32>
      %jit3A_48 = arith.constant 0.000000e+00 : f32
      %broadcast_in_dim3A_49 = vector.broadcast %jit3A_48 : f32 to vector<8x128x128xf32>
      %select_n3A_50 = arith.select %eq3A_38, %reshape3A_9, %broadcast_in_dim3A_49 : vector<8x128x128xi1>, vector<8x128x128xf32>
      %reduce_sum3A_51 = arith.constant dense<0.000000e+00> : vector<8xf32>
      %reduce_sum3A_52 = vector.multi_reduction <add>, %select_n3A_50, %reduce_sum3A_51 [1, 2] : vector<8x128x128xf32> to vector<8xf32>
      %broadcast_in_dim3A_53 = vector.shape_cast %reduce_sum3A_52 : vector<8xf32> to vector<8x1x1xf32>
      %eq3A_54 = vector.broadcast %scan3A_32 : i32 to vector<8x256xi32>
      %eq3A_55 = arith.cmpi eq, %iota3A_13, %eq3A_54 : vector<8x256xi32>
      %squeeze3A = vector.shape_cast %broadcast_in_dim3A_41 : vector<8x1x1xf32> to vector<8x1xf32>
      %broadcast_in_dim3A_56 = vector.shape_cast %squeeze3A : vector<8x1xf32> to vector<8x1xf32>
      %broadcast_in_dim3A_57 = vector.broadcast %broadcast_in_dim3A_56 : vector<8x1xf32> to vector<8x256xf32>
      %select_n3A_58 = arith.select %eq3A_55, %broadcast_in_dim3A_57, %scan3A_35 : vector<8x256xi1>, vector<8x256xf32>
      %squeeze3A_59 = vector.shape_cast %broadcast_in_dim3A_47 : vector<8x1x1xf32> to vector<8x1xf32>
      %broadcast_in_dim3A_60 = vector.shape_cast %squeeze3A_59 : vector<8x1xf32> to vector<8x1xf32>
      %broadcast_in_dim3A_61 = vector.broadcast %broadcast_in_dim3A_60 : vector<8x1xf32> to vector<8x256xf32>
      %select_n3A_62 = arith.select %eq3A_55, %broadcast_in_dim3A_61, %scan3A_36 : vector<8x256xi1>, vector<8x256xf32>
      %squeeze3A_63 = vector.shape_cast %broadcast_in_dim3A_53 : vector<8x1x1xf32> to vector<8x1xf32>
      %broadcast_in_dim3A_64 = vector.shape_cast %squeeze3A_63 : vector<8x1xf32> to vector<8x1xf32>
      %broadcast_in_dim3A_65 = vector.broadcast %broadcast_in_dim3A_64 : vector<8x1xf32> to vector<8x256xf32>
      %select_n3A_66 = arith.select %eq3A_55, %broadcast_in_dim3A_65, %scan3A_37 : vector<8x256xi1>, vector<8x256xf32>
      %sub3A = vector.broadcast %broadcast_in_dim3A_41 : vector<8x1x1xf32> to vector<8x128x128xf32>
      %sub3A_67 = arith.subf %reshape3A, %sub3A : vector<8x128x128xf32>
      %sub3A_68 = vector.broadcast %broadcast_in_dim3A_47 : vector<8x1x1xf32> to vector<8x128x128xf32>
      %sub3A_69 = arith.subf %reshape3A_5, %sub3A_68 : vector<8x128x128xf32>
      %sub3A_70 = vector.broadcast %broadcast_in_dim3A_53 : vector<8x1x1xf32> to vector<8x128x128xf32>
      %sub3A_71 = arith.subf %reshape3A_9, %sub3A_70 : vector<8x128x128xf32>
      %mul3A_72 = arith.mulf %sub3A_67, %sub3A_67 : vector<8x128x128xf32>
      %mul3A_73 = arith.mulf %sub3A_69, %sub3A_69 : vector<8x128x128xf32>
      %add3A_74 = arith.addf %mul3A_72, %mul3A_73 : vector<8x128x128xf32>
      %mul3A_75 = arith.mulf %sub3A_71, %sub3A_71 : vector<8x128x128xf32>
      %add3A_76 = arith.addf %add3A_74, %mul3A_75 : vector<8x128x128xf32>
      %min3A = arith.minimumf %scan3A_33, %add3A_76 : vector<8x128x128xf32>
      %reduce_max3A = arith.constant dense<0xFF800000> : vector<8xf32>
      %reduce_max3A_77 = vector.multi_reduction <maximumf>, %min3A, %reduce_max3A [1, 2] : vector<8x128x128xf32> to vector<8xf32>
      %broadcast_in_dim3A_78 = vector.shape_cast %reduce_max3A_77 : vector<8xf32> to vector<8x1x1xf32>
      %eq3A_79 = vector.broadcast %broadcast_in_dim3A_78 : vector<8x1x1xf32> to vector<8x128x128xf32>
      %eq3A_80 = arith.cmpf oeq, %min3A, %eq3A_79 : vector<8x128x128xf32>
      %jit3A_81 = arith.constant 16384 : i32
      %broadcast_in_dim3A_82 = vector.broadcast %jit3A_81 : i32 to vector<8x128x128xi32>
      %select_n3A_83 = arith.select %eq3A_80, %add3A, %broadcast_in_dim3A_82 : vector<8x128x128xi1>, vector<8x128x128xi32>
      %reduce_min3A = arith.constant dense<2147483647> : vector<8xi32>
      %reduce_min3A_84 = vector.multi_reduction <minsi>, %select_n3A_83, %reduce_min3A [1, 2] : vector<8x128x128xi32> to vector<8xi32>
      %broadcast_in_dim3A_85 = vector.shape_cast %reduce_min3A_84 : vector<8xi32> to vector<8x1x1xi32>
      scf.yield %min3A, %broadcast_in_dim3A_85, %select_n3A_58, %select_n3A_62, %select_n3A_66 : vector<8x128x128xf32>, vector<8x1x1xi32>, vector<8x256xf32>, vector<8x256xf32>, vector<8x256xf32>
    }
    %scan3A_23 = arith.constant 256 : i32
    %swap3A = arith.constant 0 : index
    %swap3A_24 = arith.constant 0 : index
    %swap3A_25 = vector.load %arg3[%swap3A, %swap3A_24] : memref<8x256xf32, #tpu.memory_space<vmem>>, vector<8x256xf32>
    tpu.vector_store %arg3[%swap3A, %swap3A_24], %scan3A_22#2 {strides = array<i32>} : memref<8x256xf32, #tpu.memory_space<vmem>>, vector<8x256xf32>,
    %swap3A_26 = arith.constant 0 : index
    %swap3A_27 = arith.constant 0 : index
    %swap3A_28 = vector.load %arg4[%swap3A_26, %swap3A_27] : memref<8x256xf32, #tpu.memory_space<vmem>>, vector<8x256xf32>
    tpu.vector_store %arg4[%swap3A_26, %swap3A_27], %scan3A_22#3 {strides = array<i32>} : memref<8x256xf32, #tpu.memory_space<vmem>>, vector<8x256xf32>,
    %swap3A_29 = arith.constant 0 : index
    %swap3A_30 = arith.constant 0 : index
    %swap3A_31 = vector.load %arg5[%swap3A_29, %swap3A_30] : memref<8x256xf32, #tpu.memory_space<vmem>>, vector<8x256xf32>
    tpu.vector_store %arg5[%swap3A_29, %swap3A_30], %scan3A_22#4 {strides = array<i32>} : memref<8x256xf32, #tpu.memory_space<vmem>>, vector<8x256xf32>,
    return
  }
}

module attributes {stable_mosaic.version = 14 : i64} {
  func.func @_d2_kernel(%arg0: i32, %arg1: i32, %arg2: memref<1x256x8xf32, #tpu.memory_space<vmem>>, %arg3: memref<1x4096x8xf32, #tpu.memory_space<vmem>>, %arg4: memref<256x4096xf32, #tpu.memory_space<vmem>>, %arg5: memref<1x32x256xf32, #tpu.memory_space<vmem>>) attributes {dimension_semantics = [#tpu.dimension_semantics<arbitrary>, #tpu.dimension_semantics<arbitrary>], iteration_bounds = array<i64: 8, 4>, scalar_prefetch = 0 : i64, scratch_operands = 0 : i64, tpu.core_type = #tpu.core_type<tc>, window_params = [{transform_indices = @transform_0, window_bounds = array<i64: 1, 256, 8>}, {transform_indices = @transform_1, window_bounds = array<i64: 1, 4096, 8>}, {transform_indices = @transform_2, window_bounds = array<i64: 256, 4096>}, {transform_indices = @transform_3, window_bounds = array<i64: 1, 32, 256>}]} {
    %get3A = arith.constant 0 : index
    %get3A_0 = arith.constant 0 : index
    %get3A_1 = arith.constant 0 : index
    %get3A_2 = vector.load %arg2[%get3A, %get3A_0, %get3A_1] : memref<1x256x8xf32, #tpu.memory_space<vmem>>, vector<1x256x8xf32>
    %get3A_3 = vector.shape_cast %get3A_2 : vector<1x256x8xf32> to vector<256x8xf32>
    %get3A_4 = arith.constant 0 : index
    %get3A_5 = arith.constant 0 : index
    %get3A_6 = arith.constant 0 : index
    %get3A_7 = vector.load %arg3[%get3A_4, %get3A_5, %get3A_6] : memref<1x4096x8xf32, #tpu.memory_space<vmem>>, vector<1x4096x8xf32>
    %get3A_8 = vector.shape_cast %get3A_7 : vector<1x4096x8xf32> to vector<4096x8xf32>
    %slice3A = vector.extract_strided_slice %get3A_3 {offsets = [0, 0], sizes = [256, 1], strides = [1, 1]} : vector<256x8xf32> to vector<256x1xf32>
    %slice3A_9 = vector.extract_strided_slice %get3A_3 {offsets = [0, 0], sizes = [256, 1], strides = [1, 1]} : vector<256x8xf32> to vector<256x1xf32>
    %mul3A = arith.mulf %slice3A, %slice3A_9 : vector<256x1xf32>
    %slice3A_10 = vector.extract_strided_slice %get3A_3 {offsets = [0, 1], sizes = [256, 1], strides = [1, 1]} : vector<256x8xf32> to vector<256x1xf32>
    %slice3A_11 = vector.extract_strided_slice %get3A_3 {offsets = [0, 1], sizes = [256, 1], strides = [1, 1]} : vector<256x8xf32> to vector<256x1xf32>
    %mul3A_12 = arith.mulf %slice3A_10, %slice3A_11 : vector<256x1xf32>
    %add3A = arith.addf %mul3A, %mul3A_12 : vector<256x1xf32>
    %slice3A_13 = vector.extract_strided_slice %get3A_3 {offsets = [0, 2], sizes = [256, 1], strides = [1, 1]} : vector<256x8xf32> to vector<256x1xf32>
    %slice3A_14 = vector.extract_strided_slice %get3A_3 {offsets = [0, 2], sizes = [256, 1], strides = [1, 1]} : vector<256x8xf32> to vector<256x1xf32>
    %mul3A_15 = arith.mulf %slice3A_13, %slice3A_14 : vector<256x1xf32>
    %add3A_16 = arith.addf %add3A, %mul3A_15 : vector<256x1xf32>
    %slice3A_17 = vector.extract_strided_slice %get3A_8 {offsets = [0, 0], sizes = [4096, 1], strides = [1, 1]} : vector<4096x8xf32> to vector<4096x1xf32>
    %slice3A_18 = vector.extract_strided_slice %get3A_8 {offsets = [0, 0], sizes = [4096, 1], strides = [1, 1]} : vector<4096x8xf32> to vector<4096x1xf32>
    %mul3A_19 = arith.mulf %slice3A_17, %slice3A_18 : vector<4096x1xf32>
    %slice3A_20 = vector.extract_strided_slice %get3A_8 {offsets = [0, 1], sizes = [4096, 1], strides = [1, 1]} : vector<4096x8xf32> to vector<4096x1xf32>
    %slice3A_21 = vector.extract_strided_slice %get3A_8 {offsets = [0, 1], sizes = [4096, 1], strides = [1, 1]} : vector<4096x8xf32> to vector<4096x1xf32>
    %mul3A_22 = arith.mulf %slice3A_20, %slice3A_21 : vector<4096x1xf32>
    %add3A_23 = arith.addf %mul3A_19, %mul3A_22 : vector<4096x1xf32>
    %slice3A_24 = vector.extract_strided_slice %get3A_8 {offsets = [0, 2], sizes = [4096, 1], strides = [1, 1]} : vector<4096x8xf32> to vector<4096x1xf32>
    %slice3A_25 = vector.extract_strided_slice %get3A_8 {offsets = [0, 2], sizes = [4096, 1], strides = [1, 1]} : vector<4096x8xf32> to vector<4096x1xf32>
    %mul3A_26 = arith.mulf %slice3A_24, %slice3A_25 : vector<4096x1xf32>
    %add3A_27 = arith.addf %add3A_23, %mul3A_26 : vector<4096x1xf32>
    %dot_general3A = arith.constant dense<0.000000e+00> : vector<256x4096xf32>
    %dot_general3A_28 = tpu.matmul %get3A_3, %get3A_8, %dot_general3A {dimension_numbers = #tpu.dot_dimension_numbers<[1], [1], [0], [0], [0, 0, 1, 0], [], []>, transpose_lhs_hint = false} : vector<256x8xf32>, vector<4096x8xf32>, vector<256x4096xf32> -> vector<256x4096xf32>
    %reshape3A = vector.shape_cast %add3A_27 : vector<4096x1xf32> to vector<1x4096xf32>
    %add3A_29 = vector.broadcast %add3A_16 : vector<256x1xf32> to vector<256x4096xf32>
    %add3A_30 = vector.broadcast %reshape3A : vector<1x4096xf32> to vector<256x4096xf32>
    %add3A_31 = arith.addf %add3A_29, %add3A_30 : vector<256x4096xf32>
    %mul3A_32 = arith.constant 2.000000e+00 : f32
    %mul3A_33 = vector.broadcast %mul3A_32 : f32 to vector<256x4096xf32>
    %mul3A_34 = arith.mulf %mul3A_33, %dot_general3A_28 : vector<256x4096xf32>
    %sub3A = arith.subf %add3A_31, %mul3A_34 : vector<256x4096xf32>
    %swap3A = arith.constant 0 : index
    %swap3A_35 = arith.constant 0 : index
    %swap3A_36 = vector.load %arg4[%swap3A, %swap3A_35] : memref<256x4096xf32, #tpu.memory_space<vmem>>, vector<256x4096xf32>
    tpu.vector_store %arg4[%swap3A, %swap3A_35], %sub3A {strides = array<i32>} : memref<256x4096xf32, #tpu.memory_space<vmem>>, vector<256x4096xf32>,
    %reshape3A_37 = vector.shape_cast %sub3A : vector<256x4096xf32> to vector<256x32x128xf32>
    %reduce_min3A = arith.constant dense<0x7F800000> : vector<256x32xf32>
    %reduce_min3A_38 = vector.multi_reduction <minimumf>, %reshape3A_37, %reduce_min3A [2] : vector<256x32x128xf32> to vector<256x32xf32>
    %transpose3A = tpu.transpose %reduce_min3A_38, [1, 0] : vector<256x32xf32> -> vector<32x256xf32>
    %swap3A_39 = arith.constant 0 : index
    %swap3A_40 = arith.constant 0 : index
    %swap3A_41 = arith.constant 0 : index
    %swap3A_42 = vector.load %arg5[%swap3A_39, %swap3A_40, %swap3A_41] : memref<1x32x256xf32, #tpu.memory_space<vmem>>, vector<1x32x256xf32>
    %swap3A_43 = vector.shape_cast %swap3A_42 : vector<1x32x256xf32> to vector<32x256xf32>
    %swap3A_44 = vector.shape_cast %transpose3A : vector<32x256xf32> to vector<1x32x256xf32>
    tpu.vector_store %arg5[%swap3A_39, %swap3A_40, %swap3A_41], %swap3A_44 {strides = array<i32>} : memref<1x32x256xf32, #tpu.memory_space<vmem>>, vector<1x32x256xf32>,
    return
  }
  func.func @transform_0(%arg0: i32, %arg1: i32) -> (i32, i32, i32) {
    %c0_i32 = arith.constant 0 : i32
    %c0_i32_0 = arith.constant 0 : i32
    %c0_i32_1 = arith.constant 0 : i32
    return %arg0, %c0_i32, %c0_i32_0 : i32, i32, i32
  }
  func.func @transform_1(%arg0: i32, %arg1: i32) -> (i32, i32, i32) {
    %c0_i32 = arith.constant 0 : i32
    %c0_i32_0 = arith.constant 0 : i32
    return %arg0, %arg1, %c0_i32 : i32, i32, i32
  }
  func.func @transform_2(%arg0: i32, %arg1: i32) -> (i32, i32) {
    %c0_i32 = arith.constant 0 : i32
    return %arg0, %arg1 : i32, i32
  }
  func.func @transform_3(%arg0: i32, %arg1: i32) -> (i32, i32, i32) {
    %c0_i32 = arith.constant 0 : i32
    %c0_i32_0 = arith.constant 0 : i32
    return %arg0, %arg1, %c0_i32 : i32, i32, i32
  }
}

module attributes {stable_mosaic.version = 14 : i64} {
  func.func @_thresh_kernel(%arg0: memref<8x128x256xf32, #tpu.memory_space<vmem>>, %arg1: memref<8x256x16xf32, #tpu.memory_space<vmem>>) attributes {dimension_semantics = [], scalar_prefetch = 0 : i64, scratch_operands = 0 : i64, tpu.core_type = #tpu.core_type<tc>} {
    %get3A = arith.constant 0 : index
    %get3A_0 = arith.constant 0 : index
    %get3A_1 = arith.constant 0 : index
    %get3A_2 = vector.load %arg0[%get3A, %get3A_0, %get3A_1] : memref<8x128x256xf32, #tpu.memory_space<vmem>>, vector<8x128x256xf32>
    %scan3A = arith.constant 0 : i32
    %scan3A_3 = arith.constant 31 : i32
    %scan3A_4 = arith.addi %scan3A, %scan3A_3 : i32
    %scan3A_5 = arith.constant 1 : i32
    %scan3A_6 = scf.for %scan3A_13 = %scan3A to %scan3A_4 step %scan3A_5 iter_args(%scan3A_14 = %get3A_2) -> (vector<8x128x256xf32>)  : i32 {
      %reduce_min3A_15 = arith.constant dense<0x7F800000> : vector<8x256xf32>
      %reduce_min3A_16 = vector.multi_reduction <minimumf>, %scan3A_14, %reduce_min3A_15 [1] : vector<8x128x256xf32> to vector<8x256xf32>
      %broadcast_in_dim3A_17 = vector.shape_cast %reduce_min3A_16 : vector<8x256xf32> to vector<8x1x256xf32>
      %eq3A = vector.broadcast %broadcast_in_dim3A_17 : vector<8x1x256xf32> to vector<8x128x256xf32>
      %eq3A_18 = arith.cmpf oeq, %scan3A_14, %eq3A : vector<8x128x256xf32>
      %jit3A = arith.constant 0x7F800000 : f32
      %broadcast_in_dim3A_19 = vector.broadcast %jit3A : f32 to vector<8x128x256xf32>
      %select_n3A = arith.select %eq3A_18, %broadcast_in_dim3A_19, %scan3A_14 : vector<8x128x256xi1>, vector<8x128x256xf32>
      scf.yield %select_n3A : vector<8x128x256xf32>
    }
    %reduce_min3A = arith.constant dense<0x7F800000> : vector<8x256xf32>
    %reduce_min3A_7 = vector.multi_reduction <minimumf>, %scan3A_6, %reduce_min3A [1] : vector<8x128x256xf32> to vector<8x256xf32>
    %broadcast_in_dim3A = vector.shape_cast %reduce_min3A_7 : vector<8x256xf32> to vector<8x256x1xf32>
    %broadcast_in_dim3A_8 = vector.shape_cast %broadcast_in_dim3A : vector<8x256x1xf32> to vector<8x256x1xf32>
    %broadcast_in_dim3A_9 = vector.broadcast %broadcast_in_dim3A_8 : vector<8x256x1xf32> to vector<8x256x16xf32>
    %swap3A = arith.constant 0 : index
    %swap3A_10 = arith.constant 0 : index
    %swap3A_11 = arith.constant 0 : index
    %swap3A_12 = vector.load %arg1[%swap3A, %swap3A_10, %swap3A_11] : memref<8x256x16xf32, #tpu.memory_space<vmem>>, vector<8x256x16xf32>
    tpu.vector_store %arg1[%swap3A, %swap3A_10, %swap3A_11], %broadcast_in_dim3A_9 {strides = array<i32>} : memref<8x256x16xf32, #tpu.memory_space<vmem>>, vector<8x256x16xf32>,
    return
  }
}

</mosaic_0001>

<sc_bundles>
// kernel: kernel.7.cloned.1.call-start
scs
__scs_entry_jumppad:
0x0: {  	(pc) =	sbr.rel $0x88, $3  }
0x1: {  	(tag) =	ssettag $0x0;
	lr =	simm.s32 $0x1  }
0x2: {  	[smem:$0x3FA0] =	sst lr;
	_ =	strace $0xD0000000  }
0x3: {  	_ = 	snop  }
0x4: {  	_ = 	snop  }
0x5: {  	_ = 	snop  }
0x6: {  	_ = 	snop  }
0x7: {  	_ = 	snop  }
__scs_overlays_trampoline_lowered:
0x8: {  	[smem:$0x3FAF] =	sst s0  }
0x9: {  	[smem:$0x3FB0] =	sst s1  }
0xa: {  	[smem:$0x3FB1] =	sst s2  }
0xb: {  	[smem:$0x3FB2] =	sst s3  }
0xc: {  	[smem:$0x3FB3] =	sst s4  }
0xd: {  	[smem:$0x3FB4] =	sst s5  }
0xe: {  	[smem:$0x3FB5] =	sst s6  }
0xf: {  	[smem:$0x3FB6] =	sst s7  }
0x10: {  	[smem:$0x3FB7] =	sst s8  }
0x11: {  	[smem:$0x3FB8] =	sst s9;
	s0 =	simm.s32 @!p0 $0x0  }
0x12: {  	s1 =	sld [smem:$0x3F9E];
	s0 =	simm.s32 @p0 $0x1  }
0x13: {  	[smem:$0x3FB9] =	sst s0;
	s0 =	simm.s32 @!p1 $0x0  }
0x14: {  	s2 =	sld [smem:$0x3F9D];
	s0 =	simm.s32 @p1 $0x1  }
0x15: {  	[smem:$0x3FBA] =	sst s0;
	s0 =	simm.s32 @!p2 $0x0  }
0x16: {  	s3 =	sld [smem:$0x3FDB];
	s0 =	simm.s32 @p2 $0x1  }
0x17: {  	s4 =	simm.s32 $0x1BF5;
	[smem:$0x3FBC] =	sst s0  }
0x18: {  	s0 =	sld [smem:$0x3F9F];
	_ =	swait.ge [sflag:s4], $0x0  }
0x19: {  	s7 =	sld [smem:$0x3FA0]  }
0x1a: {  	s8 =	sadd.s32 $0xFFFFE003, lr  }
0x1b: {  	s9 =	sadd.s32 $0xFFFFFEF7, lr;
	s5 =	simm.s32 $0xFFFFFFFF;
	p2 =	slt.u32 s8, $0xFFFFF086  }
0x1c: {  	p1 =	slt.u32 s9, $0xF7A;
	s5 =	simm.s32 @!p2 $0x0  }
0x1d: {  	s5 =	simm.s32 @p1 $0x1;
	p0 =	seq.s32 s7, s2  }
0x1e: {  	s7 =	smul.u32 @!p0 $0xF7A, s2;
	p2 =	seq.s32 @!p0 s5, $0x0  }
0x1f: {  	s9 =	smul.u32 $0xF7A, s1;
	s8 =	simm.s32 @!p0 $0x1BF5;
	p2 =	por !p2, p0  }
0x20: {  	[sflag:s8] =	ssyncset.s32 @!p0 $0xFFFFF086;
	s6 =	sadd.s32 @!p0 s3, s7;
	s7 =	simm.s32 @!p0 $0x108  }
0x21: {  	s3 =	sadd.s32 s3, s9;
	s6 =	sadd.s32 @!p0 $0x88, s6;
	s7 =	simm.s32 @p2 $0x1082  }
0x22: {  	[simem:s7], [sflag:s8] =	dma.local @!p0 [hbm:s6], $0xF7A  }
0x23: {  	s9 =	sor.u32 $0xD0000000, s2;
	s6 =	simm.s32 $0x108;
	_ =	swait.ge @!p0 [sflag:s8], $0x0  }
0x24: {  	s3 =	sadd.s32 $0x88, s3;
	s6 =	simm.s32 @!p1 $0x1082;
	[sflag:s4] =	ssyncset.s32 $0xFFFFF086  }
0x25: {  	[simem:s6], [sflag:s4] =	dma.local [hbm:s3], $0xF7A  }
0x26: {  	[smem:$0x3FA0] =	sst s1;
	(tag) =	ssettag s2;
	_ =	strace s9  }
0x27: {  	s1 =	sld [smem:$0x3FB0]  }
0x28: {  	s2 =	sld [smem:$0x3FB1]  }
0x29: {  	s4 =	sld [smem:$0x3FB3]  }
0x2a: {  	p0 =	seq.s32 s5, $0x0;
	s5 =	sld [smem:$0x3FB4]  }
0x2b: {  	s6 =	sld [smem:$0x3FB5]  }
0x2c: {  	s7 =	sld [smem:$0x3FB6]  }
0x2d: {  	s3 =	simm.s32 $0x108;
	s8 =	sld [smem:$0x3FB7]  }
0x2e: {  	s3 =	simm.s32 @!p0 $0x1082;
	s9 =	sld [smem:$0x3FB8]  }
0x2f: {  	lr =	sadd.s32 s0, s3;
	s0 =	sld [smem:$0x3FAF]  }
0x30: {  	s3 =	sld [smem:$0x3FB2]  }
0x31: {  	[smem:$0x3FBB] =	sst s10  }
0x32: {  	s10 =	sld [smem:$0x3FB9];
	_ =	sdelay $0x3  }
0x33: {  	p0 =	seq.s32 s10, $0x1;
	s10 =	sld [smem:$0x3FBB];
	_ =	sdelay $0x3  }
0x34: {  	[smem:$0x3FBB] =	sst s10  }
0x35: {  	s10 =	sld [smem:$0x3FBA];
	_ =	sdelay $0x3  }
0x36: {  	p1 =	seq.s32 s10, $0x1;
	s10 =	sld [smem:$0x3FBB];
	_ =	sdelay $0x3  }
0x37: {  	[smem:$0x3FBB] =	sst s10  }
0x38: {  	s10 =	sld [smem:$0x3FBC]  }
0x39: {  	_ = 	snop;
	(pc) =	sbr.ind lr, $3  }
0x3a: {  	_ = 	snop  }
0x3b: {  	_ = 	snop  }
0x3c: {  	p2 =	seq.s32 s10, $0x1;
	s10 =	sld [smem:$0x3FBB]  }
0x3d: {  	_ =	shalt  }
0x3e: {  	_ =	shalt  }
0x3f: {  	_ =	shalt  }
0x40: {  	_ =	shalt  }
0x41: {  	_ =	shalt  }
0x42: {  	_ =	shalt  }
0x43: {  	_ =	shalt  }
0x44: {  	_ =	shalt  }
0x45: {  	_ =	shalt  }
0x46: {  	_ =	shalt  }
0x47: {  	_ =	shalt  }
0x48: {  	_ =	shalt  }
0x49: {  	_ =	shalt  }
0x4a: {  	_ =	shalt  }
0x4b: {  	_ =	shalt  }
0x4c: {  	_ =	shalt  }
0x4d: {  	_ =	shalt  }
0x4e: {  	_ =	shalt  }
0x4f: {  	_ =	shalt  }
0x50: {  	_ =	shalt  }
0x51: {  	_ =	shalt  }
0x52: {  	_ =	shalt  }
0x53: {  	_ =	shalt  }
0x54: {  	_ =	shalt  }
0x55: {  	_ =	shalt  }
0x56: {  	_ =	shalt  }
0x57: {  	_ =	shalt  }
0x58: {  	_ =	shalt  }
0x59: {  	_ =	shalt  }
0x5a: {  	_ =	shalt  }
0x5b: {  	_ =	shalt  }
0x5c: {  	_ =	shalt  }
0x5d: {  	_ =	shalt  }
0x5e: {  	_ =	shalt  }
0x5f: {  	_ =	shalt  }
0x60: {  	_ =	shalt  }
0x61: {  	_ =	shalt  }
0x62: {  	_ =	shalt  }
0x63: {  	_ =	shalt  }
0x64: {  	_ =	shalt  }
0x65: {  	_ =	shalt  }
0x66: {  	_ =	shalt  }
0x67: {  	_ =	shalt  }
0x68: {  	_ =	shalt  }
0x69: {  	_ =	shalt  }
0x6a: {  	_ =	shalt  }
0x6b: {  	_ =	shalt  }
0x6c: {  	_ =	shalt  }
0x6d: {  	_ =	shalt  }
0x6e: {  	_ =	shalt  }
0x6f: {  	_ =	shalt  }
0x70: {  	_ =	shalt  }
0x71: {  	_ =	shalt  }
0x72: {  	_ =	shalt  }
0x73: {  	_ =	shalt  }
0x74: {  	_ =	shalt  }
0x75: {  	_ =	shalt  }
0x76: {  	_ =	shalt  }
0x77: {  	_ =	shalt  }
0x78: {  	_ =	shalt  }
0x79: {  	_ =	shalt  }
0x7a: {  	_ =	shalt  }
0x7b: {  	_ =	shalt  }
0x7c: {  	_ =	shalt  }
0x7d: {  	_ =	shalt  }
0x7e: {  	_ =	shalt  }
0x7f: {  	_ =	shalt  }
0x80: {  	_ =	shalt  }
0x81: {  	_ =	shalt  }
0x82: {  	_ =	shalt  }
0x83: {  	_ =	shalt  }
0x84: {  	_ =	shalt  }
0x85: {  	_ =	shalt  }
0x86: {  	_ =	shalt  }
0x87: {  	_ =	shalt  }
.Lfunc_end0:
.L_simem_size_0:
called_computation_lowered:
.L_overlay_start_0:
0x88: {  	s2 =	sld [smem:$0x3FD9]  }
0x89: {  	s3 =	sld [smem:$0x3FFE];
	_ =	sdelay $0x1  }
0x8a: {  	s1 =	srdreg.scid  }
0x8b: {  	s0 =	sand.u32 $0x1, s1  }
0x8c: {  	s17 =	sshll.u32 s0, $0xA;
	s2 =	sadd.s32 s3, s2  }
0x8d: {  	s2 =	sadd.s32 s2, s17  }
0x8e: {  	[smem:$0x3FC7] =	sst s2  }
0x8f: {  	_ = 	snop  }
0x90: {  	s2 =	sld [smem:$0x3FD0];
	(tm) =	ssettm $0x1  }
0x91: {  	s18 =	sld [smem:$0x3FFB];
	_ =	sdelay $0x3  }
0x92: {  	_ =	strace s18  }
0x93: {  	s3 =	sld [smem:$0x3FFC];
	_ =	sdelay $0x3  }
0x94: {  	_ =	strace s3  }
0x95: {  	s3 =	sld [smem:$0x3FFD];
	_ =	sdelay $0x3  }
0x96: {  	_ =	strace s3  }
0x97: {  	_ =	strace $0x8FFFFFFF  }
0x98: {  	s19 =	sld [smem:$0x3FDB];
	_ =	sdelay $0x1  }
0x99: {  	s4 =	simm.s32 $_scs_section_size  }
0x9a: {  	s5 =	simm.s32 $_size__tile_overlayer_lowered;
	s6 =	simm.s32 $_tile_overlayer_lowered  }
0x9b: {  	s22 =	simm.s32 $0x1BFF;
	s21 =	sshll.u32 s6, $0x1;
	s3 =	sadd.s32 s4, s19  }
0x9c: {  	s7 =	simm.s32 $0x0;
	s20 =	sshll.u32 s5, $0x1;
	s5 =	sadd.s32 s21, s3  }
0x9d: {  	[timem:s7], [sflag:s22] =	dma.local [hbm:s5], s20  }
0x9e: {  	_ =	swait.ge [sflag:s22], s20  }
0x9f: {  	s4 =	ssub.s32 $0x0, s20;
	[sflag:s22] =	ssyncset.done $0x0  }
0xa0: {  	[sflag:s22] =	ssyncadd.s32 s4;
	_ =	sdelay $0x1  }
0xa1: {  	s23 =	simm.s32 $0x1B8B  }
0xa2: {  	_ =	swait.ge [sflag:s23], $0x1  }
0xa3: {  	[sflag:s23] =	ssyncset.done $0x0  }
0xa4: {  	s25 =	simm.s32 $0x1B8E;
	s24 =	sld [smem:$0x3FFE];
	[sflag:s23] =	ssyncadd.s32 $0xFFFFFFFF  }
0xa5: {  	s26 =	simm.s32 $execute0_lowered;
	[smem:$0x3FD2] =	sst s25  }
0xa6: {  	s5 =	sshll.u32 s26, $0x1;
	_ =	strace $0x80000046;
	[dreg:$0x1] =	wrdreg $0xFFFFFFFF  }
0xa7: {  	s28 =	simm.s32 $_size_execute0_lowered;
	s3 =	sadd.s32 s3, s5;
	[dreg:$0x0] =	wrdreg $0x0  }
0xa8: {  	s5 =	sshll.u32 s28, $0x1;
	[dreg:$0x2] =	wrdreg s3  }
0xa9: {  	[dreg:$0x3] =	wrdreg s5  }
0xaa: {  	[dreg:$0x4] =	wrdreg $0xC0  }
0xab: {  	_ =	task [dreg:s7], $0x5FFFF  }
0xac: {  	[dreg:$0x1] =	wrdreg $0xFFFFFFFF  }
0xad: {  	[dreg:$0x0] =	wrdreg $0x60  }
0xae: {  	[dreg:$0x2] =	wrdreg s24  }
0xaf: {  	[dreg:$0x3] =	wrdreg s2  }
0xb0: {  	[dreg:$0x4] =	wrdreg $0x9  }
0xb1: {  	_ =	task.clear_ibuf [dreg:s7], $0x5FFFF;
	_ =	strace $0x90000046  }
0xb2: {  	s29 =	simm.s32 $0x9;
	_ =	strace $0x80000048  }
0xb3: {  	_ =	swait.ge [sflag:s29], $0x1  }
0xb4: {  	[sflag:s29] =	ssyncadd.s32 $0xFFFFFFFF  }
0xb5: {  	_ =	strace $0x90000048  }
0xb6: {  	_ =	sfence  }
0xb7: {  	s30 =	sld [smem:$0x0];
	_ =	sdelay $0x2  }
0xb8: {  	s31 =	sshll.u32 s1, $0xD;
	s1 =	sshrl.u32 s1, $0x2  }
0xb9: {  	s3 =	sand.u32 $0x4000, s31;
	s1 =	sadd.s32 s1, s30  }
0xba: {  	s0 =	sor.u32 s3, s0;
	s1 =	sshll.u32 s1, $0x11  }
0xbb: {  	s0 =	sor.u32 s1, s0  }
0xbc: {  	s0 =	sadd.s32 $0x8F2B, s0  }
0xbd: {  	[sflag:s0] =	ssyncadd.remote.s32 $0x1  }
0xbe: {  	_ =	sfence.sel $0xFFFF  }
0xbf: {  	[dreg:$0x0] =	wrdreg $0xFFFFFFFF;
	(pc) =	sbr.abs _section_cstart, $3  }
0xc0: {  	[dreg:$0x1] =	wrdreg $0xFFFFFFFF  }
0xc1: {  	_ =	task.clear_ibuf [dreg:s7], $0x2FFFF;
	_ =	strace $0x9FFFFFFF  }
0xc2: {  	(tm) =	ssettm $0x7FFFFFFF  }
0xc3: {  	_ =	shalt  }
tec
execute0_lowered:
.L_overlay_start_1:
0x0: {  	(tag) =	ssettag $0x1  }
0x1: {  	s0 =	rddreg [dreg:$0x0]  }
0x2: {  	s2 =	rddreg [dreg:$0x1]  }
0x3: {  	s1 =	simm.s32 $0x0;
	s4 =	srdreg.scid;
	s7 =	stileid.u32  }
0x4: {  	s13 =	simm.s32 $0x3;
	s14 =	simm.s32 $0x4000;
	[smem:$0x7FF] =	sst s1  }
0x5: {  	v0 =	vimm.f32 $+Inf;
	s15 =	simm.s32 $0x8000;
	s21 =	simm.s32 $0x18400;
	_ =	strace $0x80000047  }
0x6: {  	s22 =	simm.s32 $0x0;
	s3 =	sadd.s32 $0x400000, s0;
	s4 =	sand.u32 $0x1, s4;
	(xrf0) =	vmin.scan.msk.f32 $0xffff, v0  }
0x7: {  	s5 =	sshll.u32 s7, $0xA;
	s7 =	sshll.u32 s7, $0x1;
	s6 =	ssub.s32 $0x2, s4  }
0x8: {  	s5 =	sand.u32 $0x3800, s5;
	s9 =	sor.u32 s4, s7;
	s8 =	sshrl.u32 s6, $0x1  }
.Ltmp0:
0x9: {  	s10 =	sadd.s32 s5, s0;
	s4 =	sshll.u32 s9, $0x6;
	(pc) =	sbr.rel .LBB2_1-.Ltmp0, $4  }
0xa: {  	s7 =	sshll.u32 s9, $0xA;
	s31 =	sshll.u32 s9, $0x11;
	s11 =	smul.u32 $0x300, s9  }
0xb: {  	s12 =	ssub.s32 s6, s8;
	s5 =	sadd.s32 $0x10000, s10;
	s6 =	sadd.s32 $0x14000, s10  }
0xc: {  	v1 =	vlaneseq.u32;
	s7 =	sadd.s32 s0, s7;
	s8 =	sadd.s32 $0x18000, s10;
	s10 =	sadd.s32 s3, s31;
	v2, _, _ =	vpop (xrf0)  }
0xd: {  	v3 =	vimm.s32 $0x0;
	v4 =	vor.u32 $0x80000000, v1;
	s9 =	sadd.s32 $0x8000, s7;
	s11 =	sadd.s32 s2, s11;
	s12 =	smax.u32 s12, $0x1;
	v2 =	vbroadcast v2, $0xF  }
.LBB2_26:
0xe: {  	s22 =	sadd.s32 $0x1, s22  }
0xf: {  	p0 =	sne.s32 s22, s12  }
.Ltmp1:
0x10: {  	_ = 	snop;
	(pc) =	sbr.rel @!p0 .LBB2_27-.Ltmp1, $4  }
0x11: {  	[hbm4b:s11+s1] =	stream.linear.scatter [tilespmem:s21], [sflag:$0x3], $0x1800, $0x38;
	[tilespmem:$0x19C00] =	vst v63  }
0x12: {  	_ =	swait.ge [sflag:s13], $0x1800  }
0x13: {  	[sflag:s13] =	ssyncset.done $0x0  }
0x14: {  	[sflag:s13] =	ssyncadd.s32 $0xFFFFE800  }
.LBB2_1:
0x15: {  	[tilespmem:s1], [sflag:$0x3] =	stream.linear.gather [hbm4b:s5+s1], $0x4000, $0x38;
	[tilespmem:$0x19C00] =	vst v63  }
0x16: {  	_ =	swait.ge [sflag:s13], $0x4000  }
0x17: {  	[sflag:s13] =	ssyncset.done $0x0  }
0x18: {  	[sflag:s13] =	ssyncadd.s32 $0xFFFFC000  }
0x19: {  	[tilespmem:s14], [sflag:$0x3] =	stream.linear.gather [hbm4b:s6+s1], $0x4000, $0x38;
	[tilespmem:$0x19C00] =	vst v63  }
0x1a: {  	_ =	swait.ge [sflag:s13], $0x4000  }
0x1b: {  	[sflag:s13] =	ssyncset.done $0x0  }
0x1c: {  	[sflag:s13] =	ssyncadd.s32 $0xFFFFC000  }
0x1d: {  	[tilespmem:s15], [sflag:$0x3] =	stream.linear.gather [hbm4b:s8+s1], $0x4000, $0x38;
	[tilespmem:$0x19C00] =	vst v63  }
0x1e: {  	_ =	swait.ge [sflag:s13], $0x4000  }
0x1f: {  	[sflag:s13] =	ssyncset.done $0x0  }
0x20: {  	s0 =	simm.s32 $0x14000;
	[sflag:s13] =	ssyncadd.s32 $0xFFFFC000  }
0x21: {  	[tilespmem:s0], [sflag:$0x3] =	stream.linear.gather [hbm4b:s7+s1], $0x2000, $0x38;
	[tilespmem:$0x19C00] =	vst v63  }
0x22: {  	_ =	swait.ge [sflag:s13], $0x2000  }
0x23: {  	[sflag:s13] =	ssyncset.done $0x0  }
0x24: {  	s30 =	simm.s32 $0x16000;
	[sflag:s13] =	ssyncadd.s32 $0xFFFFE000  }
0x25: {  	[tilespmem:s30], [sflag:$0x3] =	stream.linear.gather [hbm4b:s9+s1], $0x2000, $0x38;
	[tilespmem:$0x19C00] =	vst v63  }
.Ltmp2:
0x26: {  	_ = 	snop;
	(pc) =	sbr.rel .LBB2_2-.Ltmp2, $4  }
0x27: {  	_ =	swait.ge [sflag:s13], $0x2000  }
0x28: {  	s31 =	simm.s32 $0x80;
	s2 =	simm.s32 $0x400;
	[sflag:s13] =	ssyncset.done $0x0  }
0x29: {  	s16 =	simm.s32 $0xC000;
	s23 =	simm.s32 $0x0;
	[sflag:s13] =	ssyncadd.s32 $0xFFFFE000  }
0x2a: {  	[tilespmem:s16], [sflag:$0x1] =	stream.strided.gather [hbm4b:s10+s31], $0x4000, s2, s31, $0x38;
	[tilespmem:$0x19C00] =	vst v63  }
.LBB2_25:
0x2b: {  	_ =	sdelay $0x2  }
0x2c: {  	v7 =	vld [tilespmem:s24+$0x16000]  }
0x2d: {  	v8 =	vld.idx.msk [tilespmem:v6+s1+$0x0], $0xffff;
	_ =	sdelay $0x3  }
0x2e: {  	s0 =	smul.u32 $0x180, s23  }
0x2f: {  	v8 =	vsub.f32 v8, v7  }
0x30: {  	v9 =	vld [tilespmem:s24+$0x16010];
	s0 =	sshra.s32 s0, $0x2  }
0x31: {  	v10 =	vld [tilespmem:s24+$0x16020];
	[tilespmem:s0+$0x18400] =	vst v8  }
0x32: {  	v8 =	vld.idx.msk [tilespmem:v5+s1+$0x0], $0xffff;
	_ =	sdelay $0x4  }
0x33: {  	v7 =	vsub.f32 v8, v7;
	_ =	sdelay $0x1  }
0x34: {  	[tilespmem:s0+$0x18410] =	vst v7  }
0x35: {  	v7 =	vld.idx.msk [tilespmem:v6+s14+$0x0], $0xffff;
	_ =	sdelay $0x4  }
0x36: {  	v7 =	vsub.f32 v7, v9;
	_ =	sdelay $0x1  }
0x37: {  	[tilespmem:s0+$0x18420] =	vst v7  }
0x38: {  	v7 =	vld.idx.msk [tilespmem:v5+s14+$0x0], $0xffff;
	_ =	sdelay $0x4  }
0x39: {  	v7 =	vsub.f32 v7, v9;
	_ =	sdelay $0x1  }
0x3a: {  	[tilespmem:s0+$0x18430] =	vst v7  }
0x3b: {  	v6 =	vld.idx.msk [tilespmem:v6+s15+$0x0], $0xffff;
	_ =	sdelay $0x4  }
0x3c: {  	v6 =	vsub.f32 v6, v10;
	_ =	sdelay $0x1  }
0x3d: {  	[tilespmem:s0+$0x18440] =	vst v6  }
0x3e: {  	v5 =	vld.idx.msk [tilespmem:v5+s15+$0x0], $0xffff;
	_ =	sdelay $0x1  }
0x3f: {  	p0 =	sne.s32 s25, $0x40  }
.Ltmp3:
0x40: {  	_ = 	snop;
	(pc) =	sbr.rel @!p0 .LBB2_26-.Ltmp3, $3  }
0x41: {  	_ = 	snop  }
0x42: {  	v5 =	vsub.f32 v5, v10;
	_ =	sdelay $0x1  }
0x43: {  	s23 =	smov.u32 s25;
	[tilespmem:s0+$0x18450] =	vst v5  }
.LBB2_2:
0x44: {  	s0 =	sand.u32 $0x1, s23  }
0x45: {  	s2 =	sadd.s32 s4, s23;
	p1 =	seq.s32 s0, $0x1  }
0x46: {  	s16 =	sshll.u32 @!p1 s2, $0xB  }
0x47: {  	p0 =	seq.s32 s23, $0x3F;
	s17 =	sshll.u32 @!p1 s2, $0x4;
	s16 =	sand.u32 @!p1 $0xFFFC000, s16  }
0x48: {  	s18 =	simm.s32 @!p1 $0x400;
	s17 =	sand.u32 @!p1 $0x60, s17;
	s16 =	sadd.s32 @!p1 s3, s16  }
0x49: {  	s24 =	simm.s32 @!p1 $0x10000;
	p0 =	por !p1, p0;
	s16 =	sadd.s32 @!p1 s17, s16  }
0x4a: {  	s2 =	sadd.s32 @!p0 $0x1, s2;
	s17 =	simm.s32 @!p1 $0x80;
	s16 =	sadd.s32 @!p1 $0x10, s16  }
0x4b: {  	[tilespmem:s24], [sflag:$0x2] =	stream.strided.gather @!p1 [hbm4b:s16+s17], $0x4000, s18, s17, $0x38;
	[tilespmem:$0x19C00] =	vst v63  }
0x4c: {  	s16 =	sshll.u32 @!p0 s2, $0x4  }
0x4d: {  	s2 =	sshll.u32 @!p0 s2, $0xB;
	s16 =	sand.u32 @!p0 $0x60, s16  }
0x4e: {  	s17 =	simm.s32 @!p0 $0x400;
	s2 =	sand.u32 @!p0 $0xFFFC000, s2;
	s16 =	sadd.s32 @!p0 s3, s16  }
0x4f: {  	s18 =	simm.s32 @!p0 $0xC000;
	s2 =	sadd.s32 @!p0 s2, s16;
	s16 =	simm.s32 @!p0 $0x80  }
0x50: {  	[tilespmem:s18], [sflag:$0x1] =	stream.strided.gather @!p0 [hbm4b:s2+s16], $0x4000, s17, s16, $0x38;
	[tilespmem:$0x19C00] =	vst v63  }
0x51: {  	p0 =	sne.s32 s0, $0x0  }
0x52: {  	s0 =	simm.s32 @!p0 $0x1  }
0x53: {  	_ =	swait.ge @!p0 [sflag:s0], $0x4000  }
0x54: {  	[sflag:s0] =	ssyncset.done @!p0 $0x0  }
0x55: {  	[sflag:s0] =	ssyncadd.s32 @!p0 $0xFFFFC000;
	s0 =	simm.s32 @p1 $0x2  }
0x56: {  	_ =	swait.ge @p1 [sflag:s0], $0x4000  }
0x57: {  	[sflag:s0] =	ssyncset.done @p1 $0x0  }
0x58: {  	s24 =	sshll.u32 s23, $0x7;
	[sflag:s0] =	ssyncadd.s32 @p1 $0xFFFFC000  }
0x59: {  	v5 =	vld [tilespmem:s24+$0x14000];
	[tilespmem:$0x18000] =	vst v0  }
0x5a: {  	[tilespmem:$0x18010] =	vst v0  }
0x5b: {  	[tilespmem:$0x18020] =	vst v0  }
0x5c: {  	[tilespmem:$0x18030] =	vst v0  }
0x5d: {  	[tilespmem:$0x18040] =	vst v0  }
0x5e: {  	[tilespmem:$0x18050] =	vst v0  }
0x5f: {  	[tilespmem:$0x18060] =	vst v0  }
0x60: {  	[tilespmem:$0x18070] =	vst v0  }
0x61: {  	[tilespmem:$0x18080] =	vst v0  }
0x62: {  	[tilespmem:$0x18090] =	vst v0  }
0x63: {  	[tilespmem:$0x180A0] =	vst v0  }
0x64: {  	[tilespmem:$0x180B0] =	vst v0  }
0x65: {  	[tilespmem:$0x180C0] =	vst v0  }
0x66: {  	[tilespmem:$0x180D0] =	vst v0  }
0x67: {  	[tilespmem:$0x180E0] =	vst v0  }
0x68: {  	[tilespmem:$0x180F0] =	vst v0  }
0x69: {  	[tilespmem:$0x18100] =	vst v0  }
0x6a: {  	[tilespmem:$0x18110] =	vst v0  }
0x6b: {  	[tilespmem:$0x18120] =	vst v0  }
0x6c: {  	[tilespmem:$0x18130] =	vst v0  }
0x6d: {  	[tilespmem:$0x18140] =	vst v0  }
0x6e: {  	[tilespmem:$0x18150] =	vst v0  }
0x6f: {  	[tilespmem:$0x18160] =	vst v0  }
0x70: {  	[tilespmem:$0x18170] =	vst v0  }
0x71: {  	[tilespmem:$0x18180] =	vst v0  }
0x72: {  	[tilespmem:$0x18190] =	vst v0  }
0x73: {  	[tilespmem:$0x181A0] =	vst v0  }
.Ltmp4:
0x74: {  	[tilespmem:$0x181B0] =	vst v0;
	(pc) =	sbr.rel @p0 .LBB2_6-.Ltmp4, $4  }
0x75: {  	[tilespmem:$0x181C0] =	vst v0  }
0x76: {  	[tilespmem:$0x181D0] =	vst v0  }
0x77: {  	[tilespmem:$0x181E0] =	vst v0  }
0x78: {  	s26 =	simm.s32 $0x10000;
	s25 =	simm.s32 $0x0;
	s28 =	simm.s32 $0xC000;
	[tilespmem:$0x181F0] =	vst v0  }
0x79: {  	v6 =	vld [tilespmem:s28+$0x0];
	_ =	sdelay $0x4  }
0x7a: {  	vm0 =	vle.f32 v6, v5  }
0x7b: {  	v7 =	vsel vm0, $0x1, v3  }
0x7c: {  	(xrf0) =	vadd.scan.msk.s32 $0xffff, v7;
	_ =	sdelay $0x5  }
0x7d: {  	v7, _, _ =	vpop (xrf0)  }
0x7e: {  	(v2sf) =	vpush v7, $0xF;
	_ =	sdelay $0xe  }
0x7f: {  	p0 =	por $0x0, $0x0;
	s2 =	spop (v2sf)  }
0x80: {  	p2 =	slt.s32 @!p0 s2, $0x1  }
0x81: {  	p1 =	por p2, p0;
	p2 =	por !p2, p0  }
0x82: {  	vm0 =	vle.f32 @!p1 v6, v5;
	v7 =	vlaneseq.u32 @!p1;
	s2 =	simm.s32 @!p2 $0x0  }
0x83: {  	s0 =	simm.s32 $0x10;
	[tilespmem:s25+$0x18000] =	vst.msk @!p1 vm0, v6;
	v6 =	vor.u32 @!p1 s25, v7;
	s2 =	simm.s32 @p0 $0x0  }
.LBB2_4:
0x84: {  	[tilespmem:s25+$0x18200] =	vst.msk @!p1 vm0, v6;
	s25 =	sadd.s32 s25, s2  }
0x85: {  	s28 =	sadd.s32 $0x10, s28;
	s16 =	smov.u32 s0;
	s0 =	sadd.s32 $0x10, s0  }
0x86: {  	v6 =	vld [tilespmem:s28+$0x0];
	p0 =	seq.s32 s0, $0x4000;
	_ =	sdelay $0x4  }
0x87: {  	vm0 =	vle.f32 v6, v5  }
0x88: {  	v7 =	vsel vm0, $0x1, v3  }
0x89: {  	(xrf0) =	vadd.scan.msk.s32 $0xffff, v7;
	_ =	sdelay $0x5  }
0x8a: {  	v7, _, _ =	vpop (xrf0)  }
0x8b: {  	(v2sf) =	vpush v7, $0xF;
	_ =	sdelay $0xe  }
.Ltmp5:
0x8c: {  	p2 =	sgt.s32 s25, $0x1F0;
	s2 =	spop (v2sf);
	(pc) =	sbr.rel @!p0 .LBB2_4-.Ltmp5, $4  }
0x8d: {  	p3 =	slt.s32 @!p2 s2, $0x1  }
0x8e: {  	p1 =	por p3, p2;
	p3 =	por !p3, p2  }
0x8f: {  	vm0 =	vle.f32 @!p1 v6, v5;
	v7 =	vlaneseq.u32 @!p1;
	s2 =	simm.s32 @!p3 $0x0  }
0x90: {  	[tilespmem:s25+$0x18000] =	vst.msk @!p1 vm0, v6;
	v6 =	vor.u32 @!p1 s16, v7;
	s2 =	simm.s32 @p2 $0x0  }
.Ltmp6:
0x91: {  	(pc) =	sbr.rel .LBB2_9-.Ltmp6, $2  }
0x92: {  	_ =	sdelay $0x2  }
0x93: {  	[tilespmem:s25+$0x18200] =	vst.msk @!p1 vm0, v6;
	s0 =	sadd.s32 s25, s2  }
.LBB2_6:
0x94: {  	v6 =	vld [tilespmem:s26+$0x0];
	_ =	sdelay $0x4  }
0x95: {  	vm0 =	vle.f32 v6, v5  }
0x96: {  	v7 =	vsel vm0, $0x1, v3  }
0x97: {  	(xrf0) =	vadd.scan.msk.s32 $0xffff, v7;
	_ =	sdelay $0x5  }
0x98: {  	v7, _, _ =	vpop (xrf0)  }
0x99: {  	(v2sf) =	vpush v7, $0xF;
	_ =	sdelay $0xe  }
0x9a: {  	p0 =	por $0x0, $0x0;
	s2 =	spop (v2sf)  }
0x9b: {  	p2 =	slt.s32 @!p0 s2, $0x1  }
0x9c: {  	p1 =	por p2, p0;
	p2 =	por !p2, p0  }
0x9d: {  	vm0 =	vle.f32 @!p1 v6, v5;
	v7 =	vlaneseq.u32 @!p1;
	s2 =	simm.s32 @!p2 $0x0  }
0x9e: {  	s0 =	simm.s32 $0x10;
	[tilespmem:s25+$0x18000] =	vst.msk @!p1 vm0, v6;
	v6 =	vor.u32 @!p1 s25, v7;
	s2 =	simm.s32 @p0 $0x0  }
.LBB2_7:
0x9f: {  	[tilespmem:s25+$0x18200] =	vst.msk @!p1 vm0, v6;
	s25 =	sadd.s32 s25, s2  }
0xa0: {  	s26 =	sadd.s32 $0x10, s26;
	s16 =	smov.u32 s0;
	s0 =	sadd.s32 $0x10, s0  }
0xa1: {  	v6 =	vld [tilespmem:s26+$0x0];
	p0 =	sne.s32 s0, $0x4000;
	_ =	sdelay $0x4  }
0xa2: {  	vm0 =	vle.f32 v6, v5  }
0xa3: {  	v7 =	vsel vm0, $0x1, v3  }
0xa4: {  	(xrf0) =	vadd.scan.msk.s32 $0xffff, v7;
	_ =	sdelay $0x5  }
0xa5: {  	v7, _, _ =	vpop (xrf0)  }
0xa6: {  	(v2sf) =	vpush v7, $0xF;
	_ =	sdelay $0xe  }
.Ltmp7:
0xa7: {  	p2 =	sgt.s32 s25, $0x1F0;
	s2 =	spop (v2sf);
	(pc) =	sbr.rel @p0 .LBB2_7-.Ltmp7, $4  }
0xa8: {  	p3 =	slt.s32 @!p2 s2, $0x1  }
0xa9: {  	p1 =	por p3, p2;
	p3 =	por !p3, p2  }
0xaa: {  	vm0 =	vle.f32 @!p1 v6, v5;
	v7 =	vlaneseq.u32 @!p1;
	s2 =	simm.s32 @!p3 $0x0  }
0xab: {  	[tilespmem:s25+$0x18000] =	vst.msk @!p1 vm0, v6;
	v6 =	vor.u32 @!p1 s16, v7;
	s2 =	simm.s32 @p2 $0x0  }
0xac: {  	[tilespmem:s25+$0x18200] =	vst.msk @!p1 vm0, v6;
	s0 =	sadd.s32 s25, s2  }
.LBB2_9:
0xad: {  	s0 =	sadd.s32 $0xF, s0  }
.Ltmp8:
0xae: {  	s2 =	sshra.s32 s0, $0x1F;
	(pc) =	sbr.rel .LBB2_10-.Ltmp8, $4  }
0xaf: {  	p1 =	slt.s32 s0, $0x10;
	s2 =	sshrl.u32 s2, $0x1C  }
0xb0: {  	s2 =	sadd.s32 s2, s0;
	s0 =	simm.s32 @!p1 $0x0  }
0xb1: {  	s25 =	sadd.s32 $0x1, s23;
	s0 =	simm.s32 @p1 $0x1  }
0xb2: {  	s28 =	simm.s32 $0x0;
	v5 =	vimm.s32 $0x0;
	v6 =	vimm.s32 $0x0;
	s26 =	sshra.s32 s2, $0x4;
	[smem:$0x7FD] =	sst s0  }
.LBB2_14:
0xb3: {  	s2 =	simm.s32 $0x0;
	p5 =	por $0x0, $0x0;
	s16 =	simm.s32 $0x0  }
.LBB2_23:
0xb4: {  	v8 =	vor.u32 $0x80000000, v8  }
0xb5: {  	(xrf0) =	vmax.scan.msk.u32 $0xffff, v8;
	_ =	sdelay $0x1  }
0xb6: {  	v8, _, _ =	vpop @p2 (xrf0)  }
0xb7: {  	(v2sf) =	vpush @p2 v8, $0xF;
	_ =	sdelay $0x2  }
0xb8: {  	v8, _, _ =	vpop (xrf0)  }
0xb9: {  	(v2sf) =	vpush v8, $0xF  }
0xba: {  	s0 =	spop @p4 (v2sf)  }
0xbb: {  	p0 =	sgt.u32 @p4 s0, $0x80000000  }
0xbc: {  	p6 =	por !p0, !p4  }
0xbd: {  	s0 =	smov.u32 s29;
	p0 =	por @p4 p5, p0;
	s30 =	smov.u32 @p6 s2  }
0xbe: {  	p0 =	por @!p4 p1, p1;
	s0 =	smov.u32 @p4 s30  }
0xbf: {  	p4 =	por !p0, !p3;
	s2 =	smov.u32 s0;
	s18 =	spop @p3 (v2sf)  }
0xc0: {  	s2 =	smov.u32 @p4 s17;
	s17 =	smov.u32 @p2 s31;
	p4 =	sgt.u32 @p3 s18, $0x80000000  }
0xc1: {  	s2 =	smov.u32 @p3 s2;
	s18 =	smov.u32 s29;
	p5 =	por !p4, !p3  }
0xc2: {  	p0 =	por @p3 p0, p4;
	s2 =	smov.u32 @p5 s0;
	s0 =	smov.u32 s29  }
0xc3: {  	s18 =	smov.u32 @p2 s17;
	p0 =	por @!p3 p1, p1;
	s0 =	smov.u32 @p3 s2  }
0xc4: {  	p3 =	por !p0, !p2;
	s2 =	smov.u32 s0;
	s17 =	spop @p2 (v2sf)  }
0xc5: {  	s2 =	smov.u32 @p3 s18;
	p3 =	sgt.u32 @p2 s17, $0x80000000  }
0xc6: {  	s2 =	smov.u32 @p2 s2;
	p4 =	por !p3, !p2  }
0xc7: {  	s31 =	sld [smem:$0x7FD];
	p0 =	por @p2 p0, p3;
	s2 =	smov.u32 @p4 s0  }
0xc8: {  	p0 =	por @!p2 p1, p1;
	s29 =	smov.u32 @p2 s2;
	s30 =	spop (v2sf)  }
0xc9: {  	s16 =	smov.u32 @p0 s29;
	p0 =	sgt.u32 s30, $0x80000000  }
0xca: {  	s29 =	smov.u32 @p0 s16  }
0xcb: {  	p1 =	seq.s32 s31, $0x1;
	s0 =	sshll.u32 s29, $0x4  }
.LBB2_24:
0xcc: {  	v8 =	vld [tilespmem:s0+$0x18000];
	_ =	sdelay $0x4  }
0xcd: {  	vm0 =	veq.f32 v8, v7  }
0xce: {  	v7 =	vnsel vm0, $0x80000010, v4  }
0xcf: {  	(xrf0) =	vmin.scan.msk.u32 $0xffff, v7;
	_ =	sdelay $0x5  }
0xd0: {  	v7, _, _ =	vpop (xrf0)  }
0xd1: {  	(v2sf) =	vpush v7, $0xF;
	_ =	sdelay $0xd  }
0xd2: {  	v7 =	vld [tilespmem:s0+$0x18200]  }
0xd3: {  	s2 =	spop (v2sf)  }
0xd4: {  	s2 =	sxor.u32 $0x80000000, s2  }
0xd5: {  	v9 =	vmov s2  }
0xd6: {  	vm14 =	veq.s32 v9, v1  }
0xd7: {  	v7 =	vnsel vm14, $0x0, v7  }
0xd8: {  	(xrf0) =	vadd.scan.msk.s32 $0xffff, v7;
	_ =	sdelay $0x2  }
0xd9: {  	v63 =	vmov s28;
	s31 =	sadd.s32 $0xFFFFFFF0, s28;
	s28 =	sadd.s32 $0x1, s28  }
0xda: {  	p0 =	sne.s32 s28, $0x20  }
.Ltmp9:
0xdb: {  	_ = 	snop;
	(pc) =	sbr.rel @!p0 .LBB2_25-.Ltmp9, $4  }
0xdc: {  	v7, _, _ =	vpop (xrf0)  }
0xdd: {  	v10 =	vmov s31;
	v7 =	vbroadcast v7, $0xF  }
0xde: {  	vm1 =	veq.s32 v63, v1;
	vm15 =	veq.s32 v10, v1;
	v8 =	vsel vm14, $0x7F800000, v8  }
0xdf: {  	[tilespmem:s0+$0x18000] =	vst v8;
	v6 =	vsel vm1, v7, v6;
	v5 =	vsel vm15, v7, v5  }
.LBB2_10:
.Ltmp10:
0xe0: {  	(pc) =	sbr.rel @p1 .LBB2_24-.Ltmp10, $2  }
0xe1: {  	_ =	sdelay $0x2  }
0xe2: {  	v7 =	vmov v2;
	s0 =	simm.s32 $0x0  }
0xe3: {  	p1 =	sne.s32 s26, $0x1  }
.Ltmp11:
0xe4: {  	_ = 	snop;
	(pc) =	sbr.rel @!p1 .LBB2_13-.Ltmp11, $3  }
0xe5: {  	_ =	sdelay $0x1  }
0xe6: {  	s0 =	simm.s32 $0x18000  }
0xe7: {  	v7 =	vimm.f32 $+Inf;
	s2 =	sadd.s32 $0xFFFFFFFF, s26;
	s16 =	simm.s32 $0x18000;
	v8 =	vld [tilespmem:s0+$0x0]  }
.LBB2_12:
0xe8: {  	p1 =	sne.s32 s2, $0x1  }
.Ltmp12:
0xe9: {  	_ = 	snop;
	(pc) =	sbr.rel @p1 .LBB2_12-.Ltmp12, $3  }
0xea: {  	_ =	sdelay $0x1  }
0xeb: {  	s2 =	sadd.s32 $0xFFFFFFFF, s2;
	s16 =	sadd.s32 $0x10, s16;
	v7 =	vmin.f32 v7, v8  }
0xec: {  	v8 =	vld [tilespmem:s16+$0x0]  }
.LBB2_13:
0xed: {  	_ =	sdelay $0x3  }
0xee: {  	v7 =	vmin.f32 v7, v8  }
0xef: {  	(xrf0) =	vmin.scan.msk.f32 $0xffff, v7;
	_ =	sdelay $0x3  }
0xf0: {  	v8 =	vld [tilespmem:s0+$0x0]  }
0xf1: {  	p5 =	sne.s32 s26, $0x1  }
.Ltmp13:
0xf2: {  	v7, _, _ =	vpop (xrf0);
	(pc) =	sbr.rel @!p5 .LBB2_14-.Ltmp13, $4  }
0xf3: {  	v7 =	vbroadcast v7, $0xF  }
0xf4: {  	p1 =	por $0x0, $0x0  }
0xf5: {  	s29 =	simm.s32 $0x0;
	s16 =	simm.s32 $0x1;
	p2 =	por $0x0, $0x0;
	vm0 =	veq.f32 v8, v7  }
0xf6: {  	p3 =	por $0x0, $0x0;
	p4 =	por $0x0, $0x0;
	s0 =	simm.s32 $0x18010;
	v8 =	vsel vm0, $0x1, v3  }
0xf7: {  	v9 =	vld [tilespmem:s0+$0x0]  }
0xf8: {  	p5 =	sne.s32 s26, $0x2  }
.Ltmp14:
0xf9: {  	_ = 	snop;
	(pc) =	sbr.rel @!p5 .LBB2_16-.Ltmp14, $4  }
0xfa: {  	v8 =	vor.u32 $0x80000000, v8  }
0xfb: {  	(xrf0) =	vmax.scan.msk.u32 $0xffff, v8  }
0xfc: {  	vm0 =	veq.f32 v9, v7  }
0xfd: {  	s31 =	simm.s32 $0x2;
	s0 =	simm.s32 $0x18020;
	p2 =	por $0x1, $0x1;
	v8 =	vsel vm0, $0x1, v3  }
0xfe: {  	_ =	sdelay $0x2  }
0xff: {  	v10, _, _ =	vpop (xrf0)  }
0x100: {  	(v2sf) =	vpush v10, $0xF;
	_ =	sdelay $0x5  }
0x101: {  	v9 =	vld [tilespmem:s0+$0x0]  }
0x102: {  	p5 =	sne.s32 s26, $0x3  }
.Ltmp15:
0x103: {  	_ = 	snop;
	(pc) =	sbr.rel @!p5 .LBB2_18-.Ltmp15, $4  }
0x104: {  	v8 =	vor.u32 $0x80000000, v8  }
0x105: {  	(xrf0) =	vmax.scan.msk.u32 $0xffff, v8  }
0x106: {  	vm0 =	veq.f32 v9, v7  }
0x107: {  	s0 =	simm.s32 $0x3;
	s2 =	simm.s32 $0x18030;
	p3 =	por $0x1, $0x1;
	v8 =	vsel vm0, $0x1, v3  }
0x108: {  	_ =	sdelay $0x2  }
0x109: {  	v10, _, _ =	vpop (xrf0)  }
0x10a: {  	(v2sf) =	vpush v10, $0xF;
	_ =	sdelay $0x1  }
0x10b: {  	v9 =	vld [tilespmem:s2+$0x0];
	v8 =	vor.u32 $0x80000000, v8  }
0x10c: {  	p6 =	sne.s32 s26, $0x4;
	(xrf0) =	vmax.scan.msk.u32 $0xffff, v8  }
.Ltmp16:
0x10d: {  	_ = 	snop;
	(pc) =	sbr.rel @!p6 .LBB2_20-.Ltmp16, $4  }
0x10e: {  	_ = 	snop  }
0x10f: {  	s17 =	simm.s32 $0x4  }
0x110: {  	s30 =	simm.s32 $0x0;
	s18 =	simm.s32 $0x18040;
	p4 =	por $0x1, $0x1;
	vm0 =	veq.f32 v9, v7  }
0x111: {  	s2 =	simm.s32 $0x0;
	p5 =	por $0x0, $0x0;
	s30 =	smov.u32 @p1 s30;
	v8 =	vsel vm0, $0x1, v3  }
.LBB2_21:
0x112: {  	v9 =	vld [tilespmem:s18+$0x0];
	v8 =	vor.u32 $0x80000000, v8;
	v10, _, _ =	vpop (xrf0);
	s19 =	smov.u32 s17;
	s17 =	sadd.s32 $0x1, s17  }
0x113: {  	p6 =	sne.s32 s26, s17;
	(xrf0) =	vmax.scan.msk.u32 $0xffff, v8;
	(v2sf) =	vpush v10, $0xF  }
.Ltmp17:
0x114: {  	s20 =	spop (v2sf);
	(pc) =	sbr.rel @p6 .LBB2_21-.Ltmp17, $4  }
0x115: {  	p0 =	sgt.u32 s20, $0x80000000  }
0x116: {  	s2 =	smov.u32 @p0 s30;
	p5 =	por p5, p0;
	s30 =	smov.u32 s16  }
0x117: {  	s16 =	smov.u32 s31;
	s31 =	smov.u32 s0;
	vm0 =	veq.f32 v9, v7;
	s30 =	smov.u32 @p5 s2  }
0x118: {  	s18 =	sadd.s32 $0x10, s18;
	s0 =	smov.u32 s19;
	v8 =	vsel vm0, $0x1, v3  }
.Ltmp18:
0x119: {  	(pc) =	sbr.rel .LBB2_23-.Ltmp18, $2  }
0x11a: {  	_ =	sdelay $0x2  }
0x11b: {  	s17 =	smov.u32 s16;
	s16 =	smov.u32 s0  }
.LBB2_16:
.Ltmp19:
0x11c: {  	(pc) =	sbr.rel .LBB2_23-.Ltmp19, $2  }
0x11d: {  	_ =	sdelay $0x2  }
0x11e: {  	s2 =	simm.s32 $0x0;
	p5 =	por $0x0, $0x0;
	s31 =	simm.s32 $0x0  }
.LBB2_18:
.Ltmp20:
0x11f: {  	(pc) =	sbr.rel .LBB2_23-.Ltmp20, $3  }
0x120: {  	_ =	sdelay $0x1  }
0x121: {  	s2 =	simm.s32 $0x0;
	p5 =	por $0x0, $0x0  }
0x122: {  	s17 =	simm.s32 $0x0;
	s31 =	simm.s32 $0x1;
	s16 =	simm.s32 $0x2  }
.LBB2_20:
.Ltmp21:
0x123: {  	(pc) =	sbr.rel .LBB2_23-.Ltmp21, $3  }
0x124: {  	_ =	sdelay $0x1  }
0x125: {  	s2 =	simm.s32 $0x0  }
0x126: {  	p5 =	por $0x0, $0x0;
	s17 =	simm.s32 $0x1;
	s16 =	simm.s32 $0x3  }
.LBB2_27:
0x127: {  	_ =	sfence.sel $0x180000  }
0x128: {  	[bflag:$0x0] =	sbarrier.arrive $0xFFFF  }
0x129: {  	_ =	strace $0x90000047  }
0x12a: {  	s0 =	stileid.u32;
	[bflag:$0x2] =	sbarrier.arrive $0xFFFF  }
0x12b: {  	p0 =	sne.s32 s0, $0x0;
	s0 =	rddreg [dreg:$0x2]  }
0x12c: {  	s0 =	sadd.s32 @!p0 $0x100000, s0  }
0x12d: {  	[sflag:s0] =	ssyncadd.tile.s32 @!p0 $0x1;
	_ =	shalt  }
.Lfunc_end2:
_tile_overlayer_lowered:
.L_overlay_start_2:
0x12e: {  	(tag) =	ssettag $0x2  }
0x12f: {  	s0 =	rddreg [dreg:$0x0];
	s2 =	stileid.u32  }
0x130: {  	s1 =	rddreg [dreg:$0x1];
	p0 =	sne.s32 s2, $0x0  }
0x131: {  	s3 =	rddreg [dreg:$0x2];
	[bflag:$0x3] =	sbarrier.arrive $0xFFFF;
	s2 =	simm.s32 @!p0 $0x1C03  }
0x132: {  	[timem:s3], [sflag:s2] =	dma.local @!p0 [hbm:s0], s1  }
0x133: {  	s0 =	simm.s32 @!p0 $0x3  }
0x134: {  	_ =	swait.ge @!p0 [sflag:s0], s1  }
0x135: {  	s1 =	ssub.s32 @!p0 $0x0, s1;
	[sflag:s0] =	ssyncset.done @!p0 $0x0  }
0x136: {  	[sflag:s0] =	ssyncadd.s32 @!p0 s1  }
0x137: {  	[bflag:$0x3] =	sbarrier.arrive $0xFFFF  }
0x138: {  	_ =	shalt  }

</sc_bundles>
